<compile_context>
chip_gen: v7x
topology: tpu7x:2x2x1
jax: 0.10.2.dev20260603
libtpu: 0.0.44.dev20260713+nightly
codegen_flags: <defaults>
</compile_context>

<pallas_src>
import functools

import jax
import jax.numpy as jnp
from jax import lax
from jax.experimental import pallas as pl
from jax.experimental.pallas import tpu as pltpu
from jax.experimental.pallas import tpu_sc as plsc

_NUM_POINTS = 4096
_DIMS = 128
_BATCH = 512
_NC = 2
_NS = 16
_NW = _NC * _NS
_RPW = _BATCH // _NW
_L = 16
_CPR = _NUM_POINTS // _DIMS
_CPB = _BATCH // _DIMS


def _sc_select_body(idx_hbm, embeds_hbm, gt_hbm, eb_out, g_out,
                    idx_v, myidx_v, erows_v, idxbuf_v, hi_v, lo_v,
                    grows_v, gstage_v, sem):
    wid = lax.axis_index("s") * _NC + lax.axis_index("c")
    base = wid * _RPW
    pltpu.sync_copy(idx_hbm, idx_v)
    pltpu.sync_copy(idx_hbm.at[pl.ds(base, _RPW)], myidx_v)
    cp_e = pltpu.async_copy(embeds_hbm.at[myidx_v], erows_v, sem)

    trowbase = (myidx_v[...] >> 3) * (_CPR * 8) + (myidx_v[...] & 7)

    @pl.loop(0, _CPR, unroll=8)
    def _bld(c):
        idxbuf_v[c >> 3, pl.ds((c & 7) * _L, _L)] = trowbase + c * 8

    cps = [pltpu.async_copy(gt_hbm.at[idxbuf_v.at[k]],
                            grows_v.at[pl.ds(k * 128, 128)], sem)
           for k in range(4)]

    @pl.loop(0, _BATCH // _L, unroll=8)
    def _addr(c):
        cols = idx_v[pl.ds(c * _L, _L)]
        hi_v[pl.ds(c * _L, _L)] = (cols >> 7) * _RPW
        lo_v[pl.ds(c * _L, _L)] = cols & 127

    for cp in cps:
        cp.wait()
    cp_e.wait()
    pltpu.sync_copy(erows_v, eb_out.at[pl.ds(base, _RPW)])

    @pl.loop(0, _RPW)
    def _row(rl):
        rsel = jnp.full((_L,), rl, dtype=jnp.int32)
        krow = (rl >> 3) * (_CPB * 8) + (rl & 7)

        @pl.loop(0, _BATCH // _L, unroll=8)
        def _sel(jc):
            a = hi_v[pl.ds(jc * _L, _L)] + rsel
            vals = plsc.load_gather(grows_v, [a, lo_v[pl.ds(jc * _L, _L)]])
            gstage_v[krow + (jc >> 3) * 8, pl.ds((jc & 7) * _L, _L)] = vals

    pltpu.sync_copy(gstage_v, g_out.at[pl.ds(wid * (_CPB * _RPW), _CPB * _RPW)])


@functools.cache
def _build_sc_select():
    mesh = plsc.VectorSubcoreMesh(core_axis_name="c", subcore_axis_name="s")
    return pl.kernel(
        _sc_select_body,
        out_type=[
            jax.ShapeDtypeStruct((_BATCH, _DIMS), jnp.float32),
            jax.ShapeDtypeStruct((_BATCH * _CPB, _DIMS), jnp.float32),
        ],
        mesh=mesh,
        compiler_params=pltpu.CompilerParams(use_tc_tiling_on_sc=False,
                                             needs_layout_passes=False),
        scratch_types=[
            pltpu.VMEM((_BATCH,), jnp.int32),
            pltpu.VMEM((_RPW,), jnp.int32),
            pltpu.VMEM((_RPW, _DIMS), jnp.float32),
            pltpu.VMEM((4, 128), jnp.int32),
            pltpu.VMEM((_BATCH,), jnp.int32),
            pltpu.VMEM((_BATCH,), jnp.int32),
            pltpu.VMEM((_CPR * _RPW, _DIMS), jnp.float32),
            pltpu.VMEM((_CPB * _RPW, _DIMS), jnp.float32),
            pltpu.SemaphoreType.DMA,
        ],
    )


def _tc_loss_body(eb_ref, g_ref, out_ref):
    eb = eb_ref[...]
    g = g_ref[...]
    gram = lax.dot_general(eb, eb, (((1,), (1,)), ((), ())),
                           preferred_element_type=jnp.float32,
                           precision=lax.Precision.HIGHEST)
    row = lax.broadcasted_iota(jnp.int32, (_BATCH, _BATCH), 0)
    col = lax.broadcasted_iota(jnp.int32, (_BATCH, _BATCH), 1)
    diag = jnp.where(row == col, gram, 0.0)
    n_row = jnp.sum(diag, axis=1, keepdims=True)
    n_col = jnp.sum(diag, axis=0, keepdims=True)
    d2 = jnp.maximum(n_row + n_col - 2.0 * gram, 0.0) + 1e-12
    loss = jnp.abs(d2 / (g * g) - 1.0)
    loss = jnp.where(col > row, loss, 0.0)
    out_ref[0, 0] = jnp.sum(loss)


def _tc_loss(eb, g):
    return pl.pallas_call(
        _tc_loss_body,
        out_shape=jax.ShapeDtypeStruct((1, 1), jnp.float32),
        out_specs=pl.BlockSpec(memory_space=pltpu.SMEM),
    )(eb, g)


def kernel(input_index, embeds, graph):
    idx = input_index.astype(jnp.int32)
    gt = (graph.reshape(_NUM_POINTS // 8, 8, _CPR, _DIMS)
          .transpose(0, 2, 1, 3)
          .reshape(_NUM_POINTS // 8 * _CPR * 8, _DIMS))
    eb, gq = _build_sc_select()(idx, embeds, gt)
    g = (gq.reshape(_BATCH // 8, _CPB, 8, _DIMS)
         .transpose(0, 2, 1, 3)
         .reshape(_BATCH, _BATCH))
    return _tc_loss(eb, g)[0, 0]

# --- scband reference (transcript-rebuilt; emitter-appended) ---
"""Pipeline reference for scband-model-9826885173444 (READ-ONLY COPY).

The authoritative reference and input builder live on the scoring server;
editing this copy changes nothing except your own understanding.
"""

import jax, jax.numpy as jnp
import numpy as np

NUM_POINTS = 4096
DIMS = 128
BATCH = 512


def setup_inputs(seed: int = 0) -> dict:
    key = jax.random.key(seed)
    k1, k2, k3 = jax.random.split(key, 3)
    input_index = jax.random.randint(k1, (BATCH,), 0, NUM_POINTS)
    # learned embedding table (euclidean manifold parameter)
    embeds = jax.random.normal(k2, (NUM_POINTS, DIMS), dtype=jnp.float32)
    # precomputed graph distances (n x n), strictly positive to avoid div-by-zero
    graph = jax.random.uniform(k3, (NUM_POINTS, NUM_POINTS), dtype=jnp.float32, minval=0.5, maxval=10.0)
    return {"input_index": input_index, "embeds": embeds, "graph": graph}


def _get_src_and_dst_from_seq(input_index):
    # all unordered pairs (i < j) of the indices in the batch sequence
    b = input_index.shape[0]
    iu, ju = jnp.triu_indices(b, k=1)
    src = jnp.take(input_index, iu)
    dst = jnp.take(input_index, ju)
    return src, dst


def reference(input_index, embeds, graph):
    src, dst = _get_src_and_dst_from_seq(input_index)
    # embedding gather (SparseCore-mappable)
    src_embeds = jnp.take(embeds, src, axis=0)
    dst_embeds = jnp.take(embeds, dst, axis=0)
    # Euclidean manifold distance: ||u - v||_2
    manifold_distances = jnp.sqrt(jnp.sum((src_embeds - dst_embeds) ** 2, axis=-1) + 1e-12)
    # gather precomputed graph distances
    graph_distances = graph[src, dst]
    loss = (manifold_distances / graph_distances) ** 2
    loss = jnp.abs(loss - 1.0)
    return loss.sum()

if __name__ == "__main__":
    import jax
    _d = setup_inputs()
    print(jax.jit(kernel)(*tuple(_d.values())))

</pallas_src>

<mosaic_0001>
#map = affine_map<(d0, d1) -> (0)>
#map1 = affine_map<(d0, d1) -> (0, 0)>
module attributes {stable_mosaic.version = 14 : i64} {
  func.func @_sc_select_body(%arg0: i32, %arg1: i32, %arg2: memref<512xi32, #tpu.memory_space<hbm>>, %arg3: memref<4096x128xf32, #tpu.memory_space<hbm>>, %arg4: memref<131072x128xf32, #tpu.memory_space<hbm>>, %arg5: memref<512x128xf32, #tpu.memory_space<hbm>>, %arg6: memref<2048x128xf32, #tpu.memory_space<hbm>>, %arg7: memref<512xi32, #tpu.memory_space<vmem>>, %arg8: memref<16xi32, #tpu.memory_space<vmem>>, %arg9: memref<16x128xf32, #tpu.memory_space<vmem>>, %arg10: memref<4x128xi32, #tpu.memory_space<vmem>>, %arg11: memref<512xi32, #tpu.memory_space<vmem>>, %arg12: memref<512xi32, #tpu.memory_space<vmem>>, %arg13: memref<512x128xf32, #tpu.memory_space<vmem>>, %arg14: memref<64x128xf32, #tpu.memory_space<vmem>>, %arg15: memref<!tpu.dma_semaphore, #tpu.memory_space<semaphore_mem>>) attributes {dimension_semantics = [#tpu.dimension_semantics<core_parallel>, #tpu.dimension_semantics<subcore_parallel>], iteration_bounds = array<i64: 2, 16>, scalar_prefetch = 0 : i64, scratch_operands = 9 : i64, tpu.core_type = #tpu.core_type<sc_vector_subcore>, window_params = [{transform_indices = #map}, {transform_indices = #map1}, {transform_indices = #map1}, {transform_indices = #map1}, {transform_indices = #map1}]} {
    %mul3A = arith.constant 2 : i32
    %mul3A_0 = arith.muli %arg1, %mul3A : i32
    %add3A = arith.addi %mul3A_0, %arg0 : i32
    %mul3A_1 = arith.constant 16 : i32
    %mul3A_2 = arith.muli %add3A, %mul3A_1 : i32
    "tpu.region"() ({
      %run_scoped3A = tpu.sem_alloc : memref<!tpu.dma_semaphore, #tpu.memory_space<semaphore_mem>>
      tpu.enqueue_dma source(%arg2 : memref<512xi32, #tpu.memory_space<hbm>>) target(%arg7 : memref<512xi32, #tpu.memory_space<vmem>>) target_semaphore(%run_scoped3A : memref<!tpu.dma_semaphore, #tpu.memory_space<semaphore_mem>>)
      tpu.wait_dma2 semaphore(%run_scoped3A : memref<!tpu.dma_semaphore, #tpu.memory_space<semaphore_mem>>) src(%arg2 : memref<512xi32, #tpu.memory_space<hbm>>) dst(%arg7 : memref<512xi32, #tpu.memory_space<vmem>>)
      tpu.yield
    }) : () -> ()
    "tpu.region"() ({
      %run_scoped3A = tpu.sem_alloc : memref<!tpu.dma_semaphore, #tpu.memory_space<semaphore_mem>>
      %dma_start3A_114 = tpu.memref_slice %arg2[%mul3A_2] : memref<512xi32, #tpu.memory_space<hbm>> -> memref<16xi32, #tpu.memory_space<hbm>>
      %dma_start3A_115 = tpu.memref_slice %arg2[%mul3A_2] : memref<512xi32, #tpu.memory_space<hbm>> -> memref<16xi32, #tpu.memory_space<hbm>>
      tpu.enqueue_dma source(%dma_start3A_115 : memref<16xi32, #tpu.memory_space<hbm>>) target(%arg8 : memref<16xi32, #tpu.memory_space<vmem>>) target_semaphore(%run_scoped3A : memref<!tpu.dma_semaphore, #tpu.memory_space<semaphore_mem>>)
      %dma_wait3A_116 = tpu.memref_slice %arg2[%mul3A_2] : memref<512xi32, #tpu.memory_space<hbm>> -> memref<16xi32, #tpu.memory_space<hbm>>
      %dma_wait3A_117 = tpu.memref_slice %arg2[%mul3A_2] : memref<512xi32, #tpu.memory_space<hbm>> -> memref<16xi32, #tpu.memory_space<hbm>>
      tpu.wait_dma2 semaphore(%run_scoped3A : memref<!tpu.dma_semaphore, #tpu.memory_space<semaphore_mem>>) src(%dma_wait3A_117 : memref<16xi32, #tpu.memory_space<hbm>>) dst(%arg8 : memref<16xi32, #tpu.memory_space<vmem>>)
      tpu.yield
    }) : () -> ()
    %dma_start3A = arith.constant 0 : i32
    %dma_start3A_3 = arith.constant 0 : i32
    %dma_start3A_4 = tpu.memref_slice %arg3[%dma_start3A, %dma_start3A_3] : memref<4096x128xf32, #tpu.memory_space<hbm>> -> memref<4096x128xf32, #tpu.memory_space<hbm>>
    tpu.enqueue_indirect_dma source(%dma_start3A_4 : memref<4096x128xf32, #tpu.memory_space<hbm>>) target(%arg9 : memref<16x128xf32, #tpu.memory_space<vmem>>) offsets(%arg8 : memref<16xi32, #tpu.memory_space<vmem>>) semaphore(%arg15 : memref<!tpu.dma_semaphore, #tpu.memory_space<semaphore_mem>>)
    %get3A = arith.constant 0 : index
    %get3A_5 = tpu.vector_load %arg8[%get3A] {strides = array<i32>} : memref<16xi32, #tpu.memory_space<vmem>>, vector<16xi32>,
    %shift_right_arithmetic3A = arith.constant 3 : i32
    %shift_right_arithmetic3A_6 = vector.broadcast %shift_right_arithmetic3A : i32 to vector<16xi32>
    %shift_right_arithmetic3A_7 = arith.shrsi %get3A_5, %shift_right_arithmetic3A_6 : vector<16xi32>
    %mul3A_8 = arith.constant 256 : i32
    %mul3A_9 = vector.broadcast %mul3A_8 : i32 to vector<16xi32>
    %mul3A_10 = arith.muli %shift_right_arithmetic3A_7, %mul3A_9 : vector<16xi32>
    %get3A_11 = arith.constant 0 : index
    %get3A_12 = tpu.vector_load %arg8[%get3A_11] {strides = array<i32>} : memref<16xi32, #tpu.memory_space<vmem>>, vector<16xi32>,
    %and3A = arith.constant 7 : i32
    %and3A_13 = vector.broadcast %and3A : i32 to vector<16xi32>
    %and3A_14 = arith.andi %get3A_12, %and3A_13 : vector<16xi32>
    %add3A_15 = arith.addi %mul3A_10, %and3A_14 : vector<16xi32>
    %scan3A = arith.constant 0 : i32
    %scan3A_16 = arith.constant 32 : i32
    %scan3A_17 = arith.addi %scan3A, %scan3A_16 : i32
    %scan3A_18 = arith.constant 8 : i32
    scf.for %scan3A_114 = %scan3A to %scan3A_17 step %scan3A_18  : i32 {
      %mul3A_115 = arith.constant 1 : i32
      %mul3A_116 = arith.muli %scan3A_114, %mul3A_115 : i32
      %add3A_117 = arith.constant 0 : i32
      %add3A_118 = arith.addi %add3A_117, %mul3A_116 : i32
      %mul3A_119 = arith.constant 8 : i32
      %mul3A_120 = arith.muli %add3A_118, %mul3A_119 : i32
      %add3A_121 = vector.broadcast %mul3A_120 : i32 to vector<16xi32>
      %add3A_122 = arith.addi %add3A_15, %add3A_121 : vector<16xi32>
      %shift_right_arithmetic3A_123 = arith.constant 3 : i32
      %shift_right_arithmetic3A_124 = arith.shrsi %add3A_118, %shift_right_arithmetic3A_123 : i32
      %and3A_125 = arith.constant 7 : i32
      %and3A_126 = arith.andi %add3A_118, %and3A_125 : i32
      %mul3A_127 = arith.constant 16 : i32
      %mul3A_128 = arith.muli %and3A_126, %mul3A_127 : i32
      %swap3A = arith.index_cast %shift_right_arithmetic3A_124 : i32 to index
      %swap3A_129 = arith.index_cast %mul3A_128 : i32 to index
      %swap3A_130 = tpu.vector_load %arg10[%swap3A, %swap3A_129] {strides = array<i32>} : memref<4x128xi32, #tpu.memory_space<vmem>>, vector<16xi32>,
      tpu.vector_store %arg10[%swap3A, %swap3A_129], %add3A_122 {strides = array<i32>} : memref<4x128xi32, #tpu.memory_space<vmem>>, vector<16xi32>,
      %scan3A_131 = arith.constant 1 : i32
      %scan3A_132 = arith.addi %scan3A_114, %scan3A_131 : i32
      %mul3A_133 = arith.constant 1 : i32
      %mul3A_134 = arith.muli %scan3A_132, %mul3A_133 : i32
      %add3A_135 = arith.constant 0 : i32
      %add3A_136 = arith.addi %add3A_135, %mul3A_134 : i32
      %mul3A_137 = arith.constant 8 : i32
      %mul3A_138 = arith.muli %add3A_136, %mul3A_137 : i32
      %add3A_139 = vector.broadcast %mul3A_138 : i32 to vector<16xi32>
      %add3A_140 = arith.addi %add3A_15, %add3A_139 : vector<16xi32>
      %shift_right_arithmetic3A_141 = arith.constant 3 : i32
      %shift_right_arithmetic3A_142 = arith.shrsi %add3A_136, %shift_right_arithmetic3A_141 : i32
      %and3A_143 = arith.constant 7 : i32
      %and3A_144 = arith.andi %add3A_136, %and3A_143 : i32
      %mul3A_145 = arith.constant 16 : i32
      %mul3A_146 = arith.muli %and3A_144, %mul3A_145 : i32
      %swap3A_147 = arith.index_cast %shift_right_arithmetic3A_142 : i32 to index
      %swap3A_148 = arith.index_cast %mul3A_146 : i32 to index
      %swap3A_149 = tpu.vector_load %arg10[%swap3A_147, %swap3A_148] {strides = array<i32>} : memref<4x128xi32, #tpu.memory_space<vmem>>, vector<16xi32>,
      tpu.vector_store %arg10[%swap3A_147, %swap3A_148], %add3A_140 {strides = array<i32>} : memref<4x128xi32, #tpu.memory_space<vmem>>, vector<16xi32>,
      %scan3A_150 = arith.constant 2 : i32
      %scan3A_151 = arith.addi %scan3A_114, %scan3A_150 : i32
      %mul3A_152 = arith.constant 1 : i32
      %mul3A_153 = arith.muli %scan3A_151, %mul3A_152 : i32
      %add3A_154 = arith.constant 0 : i32
      %add3A_155 = arith.addi %add3A_154, %mul3A_153 : i32
      %mul3A_156 = arith.constant 8 : i32
      %mul3A_157 = arith.muli %add3A_155, %mul3A_156 : i32
      %add3A_158 = vector.broadcast %mul3A_157 : i32 to vector<16xi32>
      %add3A_159 = arith.addi %add3A_15, %add3A_158 : vector<16xi32>
      %shift_right_arithmetic3A_160 = arith.constant 3 : i32
      %shift_right_arithmetic3A_161 = arith.shrsi %add3A_155, %shift_right_arithmetic3A_160 : i32
      %and3A_162 = arith.constant 7 : i32
      %and3A_163 = arith.andi %add3A_155, %and3A_162 : i32
      %mul3A_164 = arith.constant 16 : i32
      %mul3A_165 = arith.muli %and3A_163, %mul3A_164 : i32
      %swap3A_166 = arith.index_cast %shift_right_arithmetic3A_161 : i32 to index
      %swap3A_167 = arith.index_cast %mul3A_165 : i32 to index
      %swap3A_168 = tpu.vector_load %arg10[%swap3A_166, %swap3A_167] {strides = array<i32>} : memref<4x128xi32, #tpu.memory_space<vmem>>, vector<16xi32>,
      tpu.vector_store %arg10[%swap3A_166, %swap3A_167], %add3A_159 {strides = array<i32>} : memref<4x128xi32, #tpu.memory_space<vmem>>, vector<16xi32>,
      %scan3A_169 = arith.constant 3 : i32
      %scan3A_170 = arith.addi %scan3A_114, %scan3A_169 : i32
      %mul3A_171 = arith.constant 1 : i32
      %mul3A_172 = arith.muli %scan3A_170, %mul3A_171 : i32
      %add3A_173 = arith.constant 0 : i32
      %add3A_174 = arith.addi %add3A_173, %mul3A_172 : i32
      %mul3A_175 = arith.constant 8 : i32
      %mul3A_176 = arith.muli %add3A_174, %mul3A_175 : i32
      %add3A_177 = vector.broadcast %mul3A_176 : i32 to vector<16xi32>
      %add3A_178 = arith.addi %add3A_15, %add3A_177 : vector<16xi32>
      %shift_right_arithmetic3A_179 = arith.constant 3 : i32
      %shift_right_arithmetic3A_180 = arith.shrsi %add3A_174, %shift_right_arithmetic3A_179 : i32
      %and3A_181 = arith.constant 7 : i32
      %and3A_182 = arith.andi %add3A_174, %and3A_181 : i32
      %mul3A_183 = arith.constant 16 : i32
      %mul3A_184 = arith.muli %and3A_182, %mul3A_183 : i32
      %swap3A_185 = arith.index_cast %shift_right_arithmetic3A_180 : i32 to index
      %swap3A_186 = arith.index_cast %mul3A_184 : i32 to index
      %swap3A_187 = tpu.vector_load %arg10[%swap3A_185, %swap3A_186] {strides = array<i32>} : memref<4x128xi32, #tpu.memory_space<vmem>>, vector<16xi32>,
      tpu.vector_store %arg10[%swap3A_185, %swap3A_186], %add3A_178 {strides = array<i32>} : memref<4x128xi32, #tpu.memory_space<vmem>>, vector<16xi32>,
      %scan3A_188 = arith.constant 4 : i32
      %scan3A_189 = arith.addi %scan3A_114, %scan3A_188 : i32
      %mul3A_190 = arith.constant 1 : i32
      %mul3A_191 = arith.muli %scan3A_189, %mul3A_190 : i32
      %add3A_192 = arith.constant 0 : i32
      %add3A_193 = arith.addi %add3A_192, %mul3A_191 : i32
      %mul3A_194 = arith.constant 8 : i32
      %mul3A_195 = arith.muli %add3A_193, %mul3A_194 : i32
      %add3A_196 = vector.broadcast %mul3A_195 : i32 to vector<16xi32>
      %add3A_197 = arith.addi %add3A_15, %add3A_196 : vector<16xi32>
      %shift_right_arithmetic3A_198 = arith.constant 3 : i32
      %shift_right_arithmetic3A_199 = arith.shrsi %add3A_193, %shift_right_arithmetic3A_198 : i32
      %and3A_200 = arith.constant 7 : i32
      %and3A_201 = arith.andi %add3A_193, %and3A_200 : i32
      %mul3A_202 = arith.constant 16 : i32
      %mul3A_203 = arith.muli %and3A_201, %mul3A_202 : i32
      %swap3A_204 = arith.index_cast %shift_right_arithmetic3A_199 : i32 to index
      %swap3A_205 = arith.index_cast %mul3A_203 : i32 to index
      %swap3A_206 = tpu.vector_load %arg10[%swap3A_204, %swap3A_205] {strides = array<i32>} : memref<4x128xi32, #tpu.memory_space<vmem>>, vector<16xi32>,
      tpu.vector_store %arg10[%swap3A_204, %swap3A_205], %add3A_197 {strides = array<i32>} : memref<4x128xi32, #tpu.memory_space<vmem>>, vector<16xi32>,
      %scan3A_207 = arith.constant 5 : i32
      %scan3A_208 = arith.addi %scan3A_114, %scan3A_207 : i32
      %mul3A_209 = arith.constant 1 : i32
      %mul3A_210 = arith.muli %scan3A_208, %mul3A_209 : i32
      %add3A_211 = arith.constant 0 : i32
      %add3A_212 = arith.addi %add3A_211, %mul3A_210 : i32
      %mul3A_213 = arith.constant 8 : i32
      %mul3A_214 = arith.muli %add3A_212, %mul3A_213 : i32
      %add3A_215 = vector.broadcast %mul3A_214 : i32 to vector<16xi32>
      %add3A_216 = arith.addi %add3A_15, %add3A_215 : vector<16xi32>
      %shift_right_arithmetic3A_217 = arith.constant 3 : i32
      %shift_right_arithmetic3A_218 = arith.shrsi %add3A_212, %shift_right_arithmetic3A_217 : i32
      %and3A_219 = arith.constant 7 : i32
      %and3A_220 = arith.andi %add3A_212, %and3A_219 : i32
      %mul3A_221 = arith.constant 16 : i32
      %mul3A_222 = arith.muli %and3A_220, %mul3A_221 : i32
      %swap3A_223 = arith.index_cast %shift_right_arithmetic3A_218 : i32 to index
      %swap3A_224 = arith.index_cast %mul3A_222 : i32 to index
      %swap3A_225 = tpu.vector_load %arg10[%swap3A_223, %swap3A_224] {strides = array<i32>} : memref<4x128xi32, #tpu.memory_space<vmem>>, vector<16xi32>,
      tpu.vector_store %arg10[%swap3A_223, %swap3A_224], %add3A_216 {strides = array<i32>} : memref<4x128xi32, #tpu.memory_space<vmem>>, vector<16xi32>,
      %scan3A_226 = arith.constant 6 : i32
      %scan3A_227 = arith.addi %scan3A_114, %scan3A_226 : i32
      %mul3A_228 = arith.constant 1 : i32
      %mul3A_229 = arith.muli %scan3A_227, %mul3A_228 : i32
      %add3A_230 = arith.constant 0 : i32
      %add3A_231 = arith.addi %add3A_230, %mul3A_229 : i32
      %mul3A_232 = arith.constant 8 : i32
      %mul3A_233 = arith.muli %add3A_231, %mul3A_232 : i32
      %add3A_234 = vector.broadcast %mul3A_233 : i32 to vector<16xi32>
      %add3A_235 = arith.addi %add3A_15, %add3A_234 : vector<16xi32>
      %shift_right_arithmetic3A_236 = arith.constant 3 : i32
      %shift_right_arithmetic3A_237 = arith.shrsi %add3A_231, %shift_right_arithmetic3A_236 : i32
      %and3A_238 = arith.constant 7 : i32
      %and3A_239 = arith.andi %add3A_231, %and3A_238 : i32
      %mul3A_240 = arith.constant 16 : i32
      %mul3A_241 = arith.muli %and3A_239, %mul3A_240 : i32
      %swap3A_242 = arith.index_cast %shift_right_arithmetic3A_237 : i32 to index
      %swap3A_243 = arith.index_cast %mul3A_241 : i32 to index
      %swap3A_244 = tpu.vector_load %arg10[%swap3A_242, %swap3A_243] {strides = array<i32>} : memref<4x128xi32, #tpu.memory_space<vmem>>, vector<16xi32>,
      tpu.vector_store %arg10[%swap3A_242, %swap3A_243], %add3A_235 {strides = array<i32>} : memref<4x128xi32, #tpu.memory_space<vmem>>, vector<16xi32>,
      %scan3A_245 = arith.constant 7 : i32
      %scan3A_246 = arith.addi %scan3A_114, %scan3A_245 : i32
      %mul3A_247 = arith.constant 1 : i32
      %mul3A_248 = arith.muli %scan3A_246, %mul3A_247 : i32
      %add3A_249 = arith.constant 0 : i32
      %add3A_250 = arith.addi %add3A_249, %mul3A_248 : i32
      %mul3A_251 = arith.constant 8 : i32
      %mul3A_252 = arith.muli %add3A_250, %mul3A_251 : i32
      %add3A_253 = vector.broadcast %mul3A_252 : i32 to vector<16xi32>
      %add3A_254 = arith.addi %add3A_15, %add3A_253 : vector<16xi32>
      %shift_right_arithmetic3A_255 = arith.constant 3 : i32
      %shift_right_arithmetic3A_256 = arith.shrsi %add3A_250, %shift_right_arithmetic3A_255 : i32
      %and3A_257 = arith.constant 7 : i32
      %and3A_258 = arith.andi %add3A_250, %and3A_257 : i32
      %mul3A_259 = arith.constant 16 : i32
      %mul3A_260 = arith.muli %and3A_258, %mul3A_259 : i32
      %swap3A_261 = arith.index_cast %shift_right_arithmetic3A_256 : i32 to index
      %swap3A_262 = arith.index_cast %mul3A_260 : i32 to index
      %swap3A_263 = tpu.vector_load %arg10[%swap3A_261, %swap3A_262] {strides = array<i32>} : memref<4x128xi32, #tpu.memory_space<vmem>>, vector<16xi32>,
      tpu.vector_store %arg10[%swap3A_261, %swap3A_262], %add3A_254 {strides = array<i32>} : memref<4x128xi32, #tpu.memory_space<vmem>>, vector<16xi32>,
    }
    %scan3A_19 = arith.constant 32 : i32
    %dma_start3A_20 = arith.constant 0 : i32
    %dma_start3A_21 = arith.constant 0 : i32
    %dma_start3A_22 = arith.constant 0 : i32
    %dma_start3A_23 = tpu.memref_slice %arg13[%dma_start3A_21, %dma_start3A_22] : memref<512x128xf32, #tpu.memory_space<vmem>> -> memref<128x128xf32, #tpu.memory_space<vmem>>
    %dma_start3A_24 = arith.constant 0 : i32
    %dma_start3A_25 = tpu.memref_slice %arg10[%dma_start3A_20, %dma_start3A_24] : memref<4x128xi32, #tpu.memory_space<vmem>> -> memref<1x128xi32, #tpu.memory_space<vmem>>
    %dma_start3A_26 = tpu.memref_squeeze %dma_start3A_25 : memref<1x128xi32, #tpu.memory_space<vmem>> -> memref<128xi32, #tpu.memory_space<vmem>>
    %dma_start3A_27 = arith.constant 0 : i32
    %dma_start3A_28 = arith.constant 0 : i32
    %dma_start3A_29 = tpu.memref_slice %arg4[%dma_start3A_27, %dma_start3A_28] : memref<131072x128xf32, #tpu.memory_space<hbm>> -> memref<131072x128xf32, #tpu.memory_space<hbm>>
    tpu.enqueue_indirect_dma source(%dma_start3A_29 : memref<131072x128xf32, #tpu.memory_space<hbm>>) target(%dma_start3A_23 : memref<128x128xf32, #tpu.memory_space<vmem>>) offsets(%dma_start3A_26 : memref<128xi32, #tpu.memory_space<vmem>>) semaphore(%arg15 : memref<!tpu.dma_semaphore, #tpu.memory_space<semaphore_mem>>)
    %dma_start3A_30 = arith.constant 1 : i32
    %dma_start3A_31 = arith.constant 128 : i32
    %dma_start3A_32 = arith.constant 0 : i32
    %dma_start3A_33 = tpu.memref_slice %arg13[%dma_start3A_31, %dma_start3A_32] : memref<512x128xf32, #tpu.memory_space<vmem>> -> memref<128x128xf32, #tpu.memory_space<vmem>>
    %dma_start3A_34 = arith.constant 0 : i32
    %dma_start3A_35 = tpu.memref_slice %arg10[%dma_start3A_30, %dma_start3A_34] : memref<4x128xi32, #tpu.memory_space<vmem>> -> memref<1x128xi32, #tpu.memory_space<vmem>>
    %dma_start3A_36 = tpu.memref_squeeze %dma_start3A_35 : memref<1x128xi32, #tpu.memory_space<vmem>> -> memref<128xi32, #tpu.memory_space<vmem>>
    %dma_start3A_37 = arith.constant 0 : i32
    %dma_start3A_38 = arith.constant 0 : i32
    %dma_start3A_39 = tpu.memref_slice %arg4[%dma_start3A_37, %dma_start3A_38] : memref<131072x128xf32, #tpu.memory_space<hbm>> -> memref<131072x128xf32, #tpu.memory_space<hbm>>
    tpu.enqueue_indirect_dma source(%dma_start3A_39 : memref<131072x128xf32, #tpu.memory_space<hbm>>) target(%dma_start3A_33 : memref<128x128xf32, #tpu.memory_space<vmem>>) offsets(%dma_start3A_36 : memref<128xi32, #tpu.memory_space<vmem>>) semaphore(%arg15 : memref<!tpu.dma_semaphore, #tpu.memory_space<semaphore_mem>>)
    %dma_start3A_40 = arith.constant 2 : i32
    %dma_start3A_41 = arith.constant 256 : i32
    %dma_start3A_42 = arith.constant 0 : i32
    %dma_start3A_43 = tpu.memref_slice %arg13[%dma_start3A_41, %dma_start3A_42] : memref<512x128xf32, #tpu.memory_space<vmem>> -> memref<128x128xf32, #tpu.memory_space<vmem>>
    %dma_start3A_44 = arith.constant 0 : i32
    %dma_start3A_45 = tpu.memref_slice %arg10[%dma_start3A_40, %dma_start3A_44] : memref<4x128xi32, #tpu.memory_space<vmem>> -> memref<1x128xi32, #tpu.memory_space<vmem>>
    %dma_start3A_46 = tpu.memref_squeeze %dma_start3A_45 : memref<1x128xi32, #tpu.memory_space<vmem>> -> memref<128xi32, #tpu.memory_space<vmem>>
    %dma_start3A_47 = arith.constant 0 : i32
    %dma_start3A_48 = arith.constant 0 : i32
    %dma_start3A_49 = tpu.memref_slice %arg4[%dma_start3A_47, %dma_start3A_48] : memref<131072x128xf32, #tpu.memory_space<hbm>> -> memref<131072x128xf32, #tpu.memory_space<hbm>>
    tpu.enqueue_indirect_dma source(%dma_start3A_49 : memref<131072x128xf32, #tpu.memory_space<hbm>>) target(%dma_start3A_43 : memref<128x128xf32, #tpu.memory_space<vmem>>) offsets(%dma_start3A_46 : memref<128xi32, #tpu.memory_space<vmem>>) semaphore(%arg15 : memref<!tpu.dma_semaphore, #tpu.memory_space<semaphore_mem>>)
    %dma_start3A_50 = arith.constant 3 : i32
    %dma_start3A_51 = arith.constant 384 : i32
    %dma_start3A_52 = arith.constant 0 : i32
    %dma_start3A_53 = tpu.memref_slice %arg13[%dma_start3A_51, %dma_start3A_52] : memref<512x128xf32, #tpu.memory_space<vmem>> -> memref<128x128xf32, #tpu.memory_space<vmem>>
    %dma_start3A_54 = arith.constant 0 : i32
    %dma_start3A_55 = tpu.memref_slice %arg10[%dma_start3A_50, %dma_start3A_54] : memref<4x128xi32, #tpu.memory_space<vmem>> -> memref<1x128xi32, #tpu.memory_space<vmem>>
    %dma_start3A_56 = tpu.memref_squeeze %dma_start3A_55 : memref<1x128xi32, #tpu.memory_space<vmem>> -> memref<128xi32, #tpu.memory_space<vmem>>
    %dma_start3A_57 = arith.constant 0 : i32
    %dma_start3A_58 = arith.constant 0 : i32
    %dma_start3A_59 = tpu.memref_slice %arg4[%dma_start3A_57, %dma_start3A_58] : memref<131072x128xf32, #tpu.memory_space<hbm>> -> memref<131072x128xf32, #tpu.memory_space<hbm>>
    tpu.enqueue_indirect_dma source(%dma_start3A_59 : memref<131072x128xf32, #tpu.memory_space<hbm>>) target(%dma_start3A_53 : memref<128x128xf32, #tpu.memory_space<vmem>>) offsets(%dma_start3A_56 : memref<128xi32, #tpu.memory_space<vmem>>) semaphore(%arg15 : memref<!tpu.dma_semaphore, #tpu.memory_space<semaphore_mem>>)
    %scan3A_60 = arith.constant 0 : i32
    %scan3A_61 = arith.constant 32 : i32
    %scan3A_62 = arith.addi %scan3A_60, %scan3A_61 : i32
    %scan3A_63 = arith.constant 8 : i32
    scf.for %scan3A_114 = %scan3A_60 to %scan3A_62 step %scan3A_63  : i32 {
      %mul3A_115 = arith.constant 1 : i32
      %mul3A_116 = arith.muli %scan3A_114, %mul3A_115 : i32
      %add3A_117 = arith.constant 0 : i32
      %add3A_118 = arith.addi %add3A_117, %mul3A_116 : i32
      %mul3A_119 = arith.constant 16 : i32
      %mul3A_120 = arith.muli %add3A_118, %mul3A_119 : i32
      %get3A_121 = arith.index_cast %mul3A_120 : i32 to index
      %get3A_122 = tpu.vector_load %arg7[%get3A_121] {strides = array<i32>} : memref<512xi32, #tpu.memory_space<vmem>>, vector<16xi32>,
      %shift_right_arithmetic3A_123 = arith.constant 7 : i32
      %shift_right_arithmetic3A_124 = vector.broadcast %shift_right_arithmetic3A_123 : i32 to vector<16xi32>
      %shift_right_arithmetic3A_125 = arith.shrsi %get3A_122, %shift_right_arithmetic3A_124 : vector<16xi32>
      %mul3A_126 = arith.constant 16 : i32
      %mul3A_127 = vector.broadcast %mul3A_126 : i32 to vector<16xi32>
      %mul3A_128 = arith.muli %shift_right_arithmetic3A_125, %mul3A_127 : vector<16xi32>
      %mul3A_129 = arith.constant 16 : i32
      %mul3A_130 = arith.muli %add3A_118, %mul3A_129 : i32
      %swap3A = arith.index_cast %mul3A_130 : i32 to index
      %swap3A_131 = tpu.vector_load %arg11[%swap3A] {strides = array<i32>} : memref<512xi32, #tpu.memory_space<vmem>>, vector<16xi32>,
      tpu.vector_store %arg11[%swap3A], %mul3A_128 {strides = array<i32>} : memref<512xi32, #tpu.memory_space<vmem>>, vector<16xi32>,
      %and3A_132 = arith.constant 127 : i32
      %and3A_133 = vector.broadcast %and3A_132 : i32 to vector<16xi32>
      %and3A_134 = arith.andi %get3A_122, %and3A_133 : vector<16xi32>
      %mul3A_135 = arith.constant 16 : i32
      %mul3A_136 = arith.muli %add3A_118, %mul3A_135 : i32
      %swap3A_137 = arith.index_cast %mul3A_136 : i32 to index
      %swap3A_138 = tpu.vector_load %arg12[%swap3A_137] {strides = array<i32>} : memref<512xi32, #tpu.memory_space<vmem>>, vector<16xi32>,
      tpu.vector_store %arg12[%swap3A_137], %and3A_134 {strides = array<i32>} : memref<512xi32, #tpu.memory_space<vmem>>, vector<16xi32>,
      %scan3A_139 = arith.constant 1 : i32
      %scan3A_140 = arith.addi %scan3A_114, %scan3A_139 : i32
      %mul3A_141 = arith.constant 1 : i32
      %mul3A_142 = arith.muli %scan3A_140, %mul3A_141 : i32
      %add3A_143 = arith.constant 0 : i32
      %add3A_144 = arith.addi %add3A_143, %mul3A_142 : i32
      %mul3A_145 = arith.constant 16 : i32
      %mul3A_146 = arith.muli %add3A_144, %mul3A_145 : i32
      %get3A_147 = arith.index_cast %mul3A_146 : i32 to index
      %get3A_148 = tpu.vector_load %arg7[%get3A_147] {strides = array<i32>} : memref<512xi32, #tpu.memory_space<vmem>>, vector<16xi32>,
      %shift_right_arithmetic3A_149 = arith.constant 7 : i32
      %shift_right_arithmetic3A_150 = vector.broadcast %shift_right_arithmetic3A_149 : i32 to vector<16xi32>
      %shift_right_arithmetic3A_151 = arith.shrsi %get3A_148, %shift_right_arithmetic3A_150 : vector<16xi32>
      %mul3A_152 = arith.constant 16 : i32
      %mul3A_153 = vector.broadcast %mul3A_152 : i32 to vector<16xi32>
      %mul3A_154 = arith.muli %shift_right_arithmetic3A_151, %mul3A_153 : vector<16xi32>
      %mul3A_155 = arith.constant 16 : i32
      %mul3A_156 = arith.muli %add3A_144, %mul3A_155 : i32
      %swap3A_157 = arith.index_cast %mul3A_156 : i32 to index
      %swap3A_158 = tpu.vector_load %arg11[%swap3A_157] {strides = array<i32>} : memref<512xi32, #tpu.memory_space<vmem>>, vector<16xi32>,
      tpu.vector_store %arg11[%swap3A_157], %mul3A_154 {strides = array<i32>} : memref<512xi32, #tpu.memory_space<vmem>>, vector<16xi32>,
      %and3A_159 = arith.constant 127 : i32
      %and3A_160 = vector.broadcast %and3A_159 : i32 to vector<16xi32>
      %and3A_161 = arith.andi %get3A_148, %and3A_160 : vector<16xi32>
      %mul3A_162 = arith.constant 16 : i32
      %mul3A_163 = arith.muli %add3A_144, %mul3A_162 : i32
      %swap3A_164 = arith.index_cast %mul3A_163 : i32 to index
      %swap3A_165 = tpu.vector_load %arg12[%swap3A_164] {strides = array<i32>} : memref<512xi32, #tpu.memory_space<vmem>>, vector<16xi32>,
      tpu.vector_store %arg12[%swap3A_164], %and3A_161 {strides = array<i32>} : memref<512xi32, #tpu.memory_space<vmem>>, vector<16xi32>,
      %scan3A_166 = arith.constant 2 : i32
      %scan3A_167 = arith.addi %scan3A_114, %scan3A_166 : i32
      %mul3A_168 = arith.constant 1 : i32
      %mul3A_169 = arith.muli %scan3A_167, %mul3A_168 : i32
      %add3A_170 = arith.constant 0 : i32
      %add3A_171 = arith.addi %add3A_170, %mul3A_169 : i32
      %mul3A_172 = arith.constant 16 : i32
      %mul3A_173 = arith.muli %add3A_171, %mul3A_172 : i32
      %get3A_174 = arith.index_cast %mul3A_173 : i32 to index
      %get3A_175 = tpu.vector_load %arg7[%get3A_174] {strides = array<i32>} : memref<512xi32, #tpu.memory_space<vmem>>, vector<16xi32>,
      %shift_right_arithmetic3A_176 = arith.constant 7 : i32
      %shift_right_arithmetic3A_177 = vector.broadcast %shift_right_arithmetic3A_176 : i32 to vector<16xi32>
      %shift_right_arithmetic3A_178 = arith.shrsi %get3A_175, %shift_right_arithmetic3A_177 : vector<16xi32>
      %mul3A_179 = arith.constant 16 : i32
      %mul3A_180 = vector.broadcast %mul3A_179 : i32 to vector<16xi32>
      %mul3A_181 = arith.muli %shift_right_arithmetic3A_178, %mul3A_180 : vector<16xi32>
      %mul3A_182 = arith.constant 16 : i32
      %mul3A_183 = arith.muli %add3A_171, %mul3A_182 : i32
      %swap3A_184 = arith.index_cast %mul3A_183 : i32 to index
      %swap3A_185 = tpu.vector_load %arg11[%swap3A_184] {strides = array<i32>} : memref<512xi32, #tpu.memory_space<vmem>>, vector<16xi32>,
      tpu.vector_store %arg11[%swap3A_184], %mul3A_181 {strides = array<i32>} : memref<512xi32, #tpu.memory_space<vmem>>, vector<16xi32>,
      %and3A_186 = arith.constant 127 : i32
      %and3A_187 = vector.broadcast %and3A_186 : i32 to vector<16xi32>
      %and3A_188 = arith.andi %get3A_175, %and3A_187 : vector<16xi32>
      %mul3A_189 = arith.constant 16 : i32
      %mul3A_190 = arith.muli %add3A_171, %mul3A_189 : i32
      %swap3A_191 = arith.index_cast %mul3A_190 : i32 to index
      %swap3A_192 = tpu.vector_load %arg12[%swap3A_191] {strides = array<i32>} : memref<512xi32, #tpu.memory_space<vmem>>, vector<16xi32>,
      tpu.vector_store %arg12[%swap3A_191], %and3A_188 {strides = array<i32>} : memref<512xi32, #tpu.memory_space<vmem>>, vector<16xi32>,
      %scan3A_193 = arith.constant 3 : i32
      %scan3A_194 = arith.addi %scan3A_114, %scan3A_193 : i32
      %mul3A_195 = arith.constant 1 : i32
      %mul3A_196 = arith.muli %scan3A_194, %mul3A_195 : i32
      %add3A_197 = arith.constant 0 : i32
      %add3A_198 = arith.addi %add3A_197, %mul3A_196 : i32
      %mul3A_199 = arith.constant 16 : i32
      %mul3A_200 = arith.muli %add3A_198, %mul3A_199 : i32
      %get3A_201 = arith.index_cast %mul3A_200 : i32 to index
      %get3A_202 = tpu.vector_load %arg7[%get3A_201] {strides = array<i32>} : memref<512xi32, #tpu.memory_space<vmem>>, vector<16xi32>,
      %shift_right_arithmetic3A_203 = arith.constant 7 : i32
      %shift_right_arithmetic3A_204 = vector.broadcast %shift_right_arithmetic3A_203 : i32 to vector<16xi32>
      %shift_right_arithmetic3A_205 = arith.shrsi %get3A_202, %shift_right_arithmetic3A_204 : vector<16xi32>
      %mul3A_206 = arith.constant 16 : i32
      %mul3A_207 = vector.broadcast %mul3A_206 : i32 to vector<16xi32>
      %mul3A_208 = arith.muli %shift_right_arithmetic3A_205, %mul3A_207 : vector<16xi32>
      %mul3A_209 = arith.constant 16 : i32
      %mul3A_210 = arith.muli %add3A_198, %mul3A_209 : i32
      %swap3A_211 = arith.index_cast %mul3A_210 : i32 to index
      %swap3A_212 = tpu.vector_load %arg11[%swap3A_211] {strides = array<i32>} : memref<512xi32, #tpu.memory_space<vmem>>, vector<16xi32>,
      tpu.vector_store %arg11[%swap3A_211], %mul3A_208 {strides = array<i32>} : memref<512xi32, #tpu.memory_space<vmem>>, vector<16xi32>,
      %and3A_213 = arith.constant 127 : i32
      %and3A_214 = vector.broadcast %and3A_213 : i32 to vector<16xi32>
      %and3A_215 = arith.andi %get3A_202, %and3A_214 : vector<16xi32>
      %mul3A_216 = arith.constant 16 : i32
      %mul3A_217 = arith.muli %add3A_198, %mul3A_216 : i32
      %swap3A_218 = arith.index_cast %mul3A_217 : i32 to index
      %swap3A_219 = tpu.vector_load %arg12[%swap3A_218] {strides = array<i32>} : memref<512xi32, #tpu.memory_space<vmem>>, vector<16xi32>,
      tpu.vector_store %arg12[%swap3A_218], %and3A_215 {strides = array<i32>} : memref<512xi32, #tpu.memory_space<vmem>>, vector<16xi32>,
      %scan3A_220 = arith.constant 4 : i32
      %scan3A_221 = arith.addi %scan3A_114, %scan3A_220 : i32
      %mul3A_222 = arith.constant 1 : i32
      %mul3A_223 = arith.muli %scan3A_221, %mul3A_222 : i32
      %add3A_224 = arith.constant 0 : i32
      %add3A_225 = arith.addi %add3A_224, %mul3A_223 : i32
      %mul3A_226 = arith.constant 16 : i32
      %mul3A_227 = arith.muli %add3A_225, %mul3A_226 : i32
      %get3A_228 = arith.index_cast %mul3A_227 : i32 to index
      %get3A_229 = tpu.vector_load %arg7[%get3A_228] {strides = array<i32>} : memref<512xi32, #tpu.memory_space<vmem>>, vector<16xi32>,
      %shift_right_arithmetic3A_230 = arith.constant 7 : i32
      %shift_right_arithmetic3A_231 = vector.broadcast %shift_right_arithmetic3A_230 : i32 to vector<16xi32>
      %shift_right_arithmetic3A_232 = arith.shrsi %get3A_229, %shift_right_arithmetic3A_231 : vector<16xi32>
      %mul3A_233 = arith.constant 16 : i32
      %mul3A_234 = vector.broadcast %mul3A_233 : i32 to vector<16xi32>
      %mul3A_235 = arith.muli %shift_right_arithmetic3A_232, %mul3A_234 : vector<16xi32>
      %mul3A_236 = arith.constant 16 : i32
      %mul3A_237 = arith.muli %add3A_225, %mul3A_236 : i32
      %swap3A_238 = arith.index_cast %mul3A_237 : i32 to index
      %swap3A_239 = tpu.vector_load %arg11[%swap3A_238] {strides = array<i32>} : memref<512xi32, #tpu.memory_space<vmem>>, vector<16xi32>,
      tpu.vector_store %arg11[%swap3A_238], %mul3A_235 {strides = array<i32>} : memref<512xi32, #tpu.memory_space<vmem>>, vector<16xi32>,
      %and3A_240 = arith.constant 127 : i32
      %and3A_241 = vector.broadcast %and3A_240 : i32 to vector<16xi32>
      %and3A_242 = arith.andi %get3A_229, %and3A_241 : vector<16xi32>
      %mul3A_243 = arith.constant 16 : i32
      %mul3A_244 = arith.muli %add3A_225, %mul3A_243 : i32
      %swap3A_245 = arith.index_cast %mul3A_244 : i32 to index
      %swap3A_246 = tpu.vector_load %arg12[%swap3A_245] {strides = array<i32>} : memref<512xi32, #tpu.memory_space<vmem>>, vector<16xi32>,
      tpu.vector_store %arg12[%swap3A_245], %and3A_242 {strides = array<i32>} : memref<512xi32, #tpu.memory_space<vmem>>, vector<16xi32>,
      %scan3A_247 = arith.constant 5 : i32
      %scan3A_248 = arith.addi %scan3A_114, %scan3A_247 : i32
      %mul3A_249 = arith.constant 1 : i32
      %mul3A_250 = arith.muli %scan3A_248, %mul3A_249 : i32
      %add3A_251 = arith.constant 0 : i32
      %add3A_252 = arith.addi %add3A_251, %mul3A_250 : i32
      %mul3A_253 = arith.constant 16 : i32
      %mul3A_254 = arith.muli %add3A_252, %mul3A_253 : i32
      %get3A_255 = arith.index_cast %mul3A_254 : i32 to index
      %get3A_256 = tpu.vector_load %arg7[%get3A_255] {strides = array<i32>} : memref<512xi32, #tpu.memory_space<vmem>>, vector<16xi32>,
      %shift_right_arithmetic3A_257 = arith.constant 7 : i32
      %shift_right_arithmetic3A_258 = vector.broadcast %shift_right_arithmetic3A_257 : i32 to vector<16xi32>
      %shift_right_arithmetic3A_259 = arith.shrsi %get3A_256, %shift_right_arithmetic3A_258 : vector<16xi32>
      %mul3A_260 = arith.constant 16 : i32
      %mul3A_261 = vector.broadcast %mul3A_260 : i32 to vector<16xi32>
      %mul3A_262 = arith.muli %shift_right_arithmetic3A_259, %mul3A_261 : vector<16xi32>
      %mul3A_263 = arith.constant 16 : i32
      %mul3A_264 = arith.muli %add3A_252, %mul3A_263 : i32
      %swap3A_265 = arith.index_cast %mul3A_264 : i32 to index
      %swap3A_266 = tpu.vector_load %arg11[%swap3A_265] {strides = array<i32>} : memref<512xi32, #tpu.memory_space<vmem>>, vector<16xi32>,
      tpu.vector_store %arg11[%swap3A_265], %mul3A_262 {strides = array<i32>} : memref<512xi32, #tpu.memory_space<vmem>>, vector<16xi32>,
      %and3A_267 = arith.constant 127 : i32
      %and3A_268 = vector.broadcast %and3A_267 : i32 to vector<16xi32>
      %and3A_269 = arith.andi %get3A_256, %and3A_268 : vector<16xi32>
      %mul3A_270 = arith.constant 16 : i32
      %mul3A_271 = arith.muli %add3A_252, %mul3A_270 : i32
      %swap3A_272 = arith.index_cast %mul3A_271 : i32 to index
      %swap3A_273 = tpu.vector_load %arg12[%swap3A_272] {strides = array<i32>} : memref<512xi32, #tpu.memory_space<vmem>>, vector<16xi32>,
      tpu.vector_store %arg12[%swap3A_272], %and3A_269 {strides = array<i32>} : memref<512xi32, #tpu.memory_space<vmem>>, vector<16xi32>,
      %scan3A_274 = arith.constant 6 : i32
      %scan3A_275 = arith.addi %scan3A_114, %scan3A_274 : i32
      %mul3A_276 = arith.constant 1 : i32
      %mul3A_277 = arith.muli %scan3A_275, %mul3A_276 : i32
      %add3A_278 = arith.constant 0 : i32
      %add3A_279 = arith.addi %add3A_278, %mul3A_277 : i32
      %mul3A_280 = arith.constant 16 : i32
      %mul3A_281 = arith.muli %add3A_279, %mul3A_280 : i32
      %get3A_282 = arith.index_cast %mul3A_281 : i32 to index
      %get3A_283 = tpu.vector_load %arg7[%get3A_282] {strides = array<i32>} : memref<512xi32, #tpu.memory_space<vmem>>, vector<16xi32>,
      %shift_right_arithmetic3A_284 = arith.constant 7 : i32
      %shift_right_arithmetic3A_285 = vector.broadcast %shift_right_arithmetic3A_284 : i32 to vector<16xi32>
      %shift_right_arithmetic3A_286 = arith.shrsi %get3A_283, %shift_right_arithmetic3A_285 : vector<16xi32>
      %mul3A_287 = arith.constant 16 : i32
      %mul3A_288 = vector.broadcast %mul3A_287 : i32 to vector<16xi32>
      %mul3A_289 = arith.muli %shift_right_arithmetic3A_286, %mul3A_288 : vector<16xi32>
      %mul3A_290 = arith.constant 16 : i32
      %mul3A_291 = arith.muli %add3A_279, %mul3A_290 : i32
      %swap3A_292 = arith.index_cast %mul3A_291 : i32 to index
      %swap3A_293 = tpu.vector_load %arg11[%swap3A_292] {strides = array<i32>} : memref<512xi32, #tpu.memory_space<vmem>>, vector<16xi32>,
      tpu.vector_store %arg11[%swap3A_292], %mul3A_289 {strides = array<i32>} : memref<512xi32, #tpu.memory_space<vmem>>, vector<16xi32>,
      %and3A_294 = arith.constant 127 : i32
      %and3A_295 = vector.broadcast %and3A_294 : i32 to vector<16xi32>
      %and3A_296 = arith.andi %get3A_283, %and3A_295 : vector<16xi32>
      %mul3A_297 = arith.constant 16 : i32
      %mul3A_298 = arith.muli %add3A_279, %mul3A_297 : i32
      %swap3A_299 = arith.index_cast %mul3A_298 : i32 to index
      %swap3A_300 = tpu.vector_load %arg12[%swap3A_299] {strides = array<i32>} : memref<512xi32, #tpu.memory_space<vmem>>, vector<16xi32>,
      tpu.vector_store %arg12[%swap3A_299], %and3A_296 {strides = array<i32>} : memref<512xi32, #tpu.memory_space<vmem>>, vector<16xi32>,
      %scan3A_301 = arith.constant 7 : i32
      %scan3A_302 = arith.addi %scan3A_114, %scan3A_301 : i32
      %mul3A_303 = arith.constant 1 : i32
      %mul3A_304 = arith.muli %scan3A_302, %mul3A_303 : i32
      %add3A_305 = arith.constant 0 : i32
      %add3A_306 = arith.addi %add3A_305, %mul3A_304 : i32
      %mul3A_307 = arith.constant 16 : i32
      %mul3A_308 = arith.muli %add3A_306, %mul3A_307 : i32
      %get3A_309 = arith.index_cast %mul3A_308 : i32 to index
      %get3A_310 = tpu.vector_load %arg7[%get3A_309] {strides = array<i32>} : memref<512xi32, #tpu.memory_space<vmem>>, vector<16xi32>,
      %shift_right_arithmetic3A_311 = arith.constant 7 : i32
      %shift_right_arithmetic3A_312 = vector.broadcast %shift_right_arithmetic3A_311 : i32 to vector<16xi32>
      %shift_right_arithmetic3A_313 = arith.shrsi %get3A_310, %shift_right_arithmetic3A_312 : vector<16xi32>
      %mul3A_314 = arith.constant 16 : i32
      %mul3A_315 = vector.broadcast %mul3A_314 : i32 to vector<16xi32>
      %mul3A_316 = arith.muli %shift_right_arithmetic3A_313, %mul3A_315 : vector<16xi32>
      %mul3A_317 = arith.constant 16 : i32
      %mul3A_318 = arith.muli %add3A_306, %mul3A_317 : i32
      %swap3A_319 = arith.index_cast %mul3A_318 : i32 to index
      %swap3A_320 = tpu.vector_load %arg11[%swap3A_319] {strides = array<i32>} : memref<512xi32, #tpu.memory_space<vmem>>, vector<16xi32>,
      tpu.vector_store %arg11[%swap3A_319], %mul3A_316 {strides = array<i32>} : memref<512xi32, #tpu.memory_space<vmem>>, vector<16xi32>,
      %and3A_321 = arith.constant 127 : i32
      %and3A_322 = vector.broadcast %and3A_321 : i32 to vector<16xi32>
      %and3A_323 = arith.andi %get3A_310, %and3A_322 : vector<16xi32>
      %mul3A_324 = arith.constant 16 : i32
      %mul3A_325 = arith.muli %add3A_306, %mul3A_324 : i32
      %swap3A_326 = arith.index_cast %mul3A_325 : i32 to index
      %swap3A_327 = tpu.vector_load %arg12[%swap3A_326] {strides = array<i32>} : memref<512xi32, #tpu.memory_space<vmem>>, vector<16xi32>,
      tpu.vector_store %arg12[%swap3A_326], %and3A_323 {strides = array<i32>} : memref<512xi32, #tpu.memory_space<vmem>>, vector<16xi32>,
    }
    %scan3A_64 = arith.constant 32 : i32
    %dma_wait3A = arith.constant 0 : i32
    %dma_wait3A_65 = arith.constant 0 : i32
    %dma_wait3A_66 = arith.constant 0 : i32
    %dma_wait3A_67 = tpu.memref_slice %arg13[%dma_wait3A_65, %dma_wait3A_66] : memref<512x128xf32, #tpu.memory_space<vmem>> -> memref<128x128xf32, #tpu.memory_space<vmem>>
    %dma_wait3A_68 = arith.constant 0 : i32
    %dma_wait3A_69 = tpu.memref_slice %arg10[%dma_wait3A, %dma_wait3A_68] : memref<4x128xi32, #tpu.memory_space<vmem>> -> memref<1x128xi32, #tpu.memory_space<vmem>>
    %dma_wait3A_70 = tpu.memref_squeeze %dma_wait3A_69 : memref<1x128xi32, #tpu.memory_space<vmem>> -> memref<128xi32, #tpu.memory_space<vmem>>
    %dma_wait3A_71 = arith.constant 0 : i32
    %dma_wait3A_72 = arith.constant 0 : i32
    %dma_wait3A_73 = tpu.memref_slice %arg4[%dma_wait3A_71, %dma_wait3A_72] : memref<131072x128xf32, #tpu.memory_space<hbm>> -> memref<131072x128xf32, #tpu.memory_space<hbm>>
    tpu.wait_indirect_dma semaphore(%arg15 : memref<!tpu.dma_semaphore, #tpu.memory_space<semaphore_mem>>) src(%dma_wait3A_73 : memref<131072x128xf32, #tpu.memory_space<hbm>>) dst(%dma_wait3A_67 : memref<128x128xf32, #tpu.memory_space<vmem>>)
    %dma_wait3A_74 = arith.constant 1 : i32
    %dma_wait3A_75 = arith.constant 128 : i32
    %dma_wait3A_76 = arith.constant 0 : i32
    %dma_wait3A_77 = tpu.memref_slice %arg13[%dma_wait3A_75, %dma_wait3A_76] : memref<512x128xf32, #tpu.memory_space<vmem>> -> memref<128x128xf32, #tpu.memory_space<vmem>>
    %dma_wait3A_78 = arith.constant 0 : i32
    %dma_wait3A_79 = tpu.memref_slice %arg10[%dma_wait3A_74, %dma_wait3A_78] : memref<4x128xi32, #tpu.memory_space<vmem>> -> memref<1x128xi32, #tpu.memory_space<vmem>>
    %dma_wait3A_80 = tpu.memref_squeeze %dma_wait3A_79 : memref<1x128xi32, #tpu.memory_space<vmem>> -> memref<128xi32, #tpu.memory_space<vmem>>
    %dma_wait3A_81 = arith.constant 0 : i32
    %dma_wait3A_82 = arith.constant 0 : i32
    %dma_wait3A_83 = tpu.memref_slice %arg4[%dma_wait3A_81, %dma_wait3A_82] : memref<131072x128xf32, #tpu.memory_space<hbm>> -> memref<131072x128xf32, #tpu.memory_space<hbm>>
    tpu.wait_indirect_dma semaphore(%arg15 : memref<!tpu.dma_semaphore, #tpu.memory_space<semaphore_mem>>) src(%dma_wait3A_83 : memref<131072x128xf32, #tpu.memory_space<hbm>>) dst(%dma_wait3A_77 : memref<128x128xf32, #tpu.memory_space<vmem>>)
    %dma_wait3A_84 = arith.constant 2 : i32
    %dma_wait3A_85 = arith.constant 256 : i32
    %dma_wait3A_86 = arith.constant 0 : i32
    %dma_wait3A_87 = tpu.memref_slice %arg13[%dma_wait3A_85, %dma_wait3A_86] : memref<512x128xf32, #tpu.memory_space<vmem>> -> memref<128x128xf32, #tpu.memory_space<vmem>>
    %dma_wait3A_88 = arith.constant 0 : i32
    %dma_wait3A_89 = tpu.memref_slice %arg10[%dma_wait3A_84, %dma_wait3A_88] : memref<4x128xi32, #tpu.memory_space<vmem>> -> memref<1x128xi32, #tpu.memory_space<vmem>>
    %dma_wait3A_90 = tpu.memref_squeeze %dma_wait3A_89 : memref<1x128xi32, #tpu.memory_space<vmem>> -> memref<128xi32, #tpu.memory_space<vmem>>
    %dma_wait3A_91 = arith.constant 0 : i32
    %dma_wait3A_92 = arith.constant 0 : i32
    %dma_wait3A_93 = tpu.memref_slice %arg4[%dma_wait3A_91, %dma_wait3A_92] : memref<131072x128xf32, #tpu.memory_space<hbm>> -> memref<131072x128xf32, #tpu.memory_space<hbm>>
    tpu.wait_indirect_dma semaphore(%arg15 : memref<!tpu.dma_semaphore, #tpu.memory_space<semaphore_mem>>) src(%dma_wait3A_93 : memref<131072x128xf32, #tpu.memory_space<hbm>>) dst(%dma_wait3A_87 : memref<128x128xf32, #tpu.memory_space<vmem>>)
    %dma_wait3A_94 = arith.constant 3 : i32
    %dma_wait3A_95 = arith.constant 384 : i32
    %dma_wait3A_96 = arith.constant 0 : i32
    %dma_wait3A_97 = tpu.memref_slice %arg13[%dma_wait3A_95, %dma_wait3A_96] : memref<512x128xf32, #tpu.memory_space<vmem>> -> memref<128x128xf32, #tpu.memory_space<vmem>>
    %dma_wait3A_98 = arith.constant 0 : i32
    %dma_wait3A_99 = tpu.memref_slice %arg10[%dma_wait3A_94, %dma_wait3A_98] : memref<4x128xi32, #tpu.memory_space<vmem>> -> memref<1x128xi32, #tpu.memory_space<vmem>>
    %dma_wait3A_100 = tpu.memref_squeeze %dma_wait3A_99 : memref<1x128xi32, #tpu.memory_space<vmem>> -> memref<128xi32, #tpu.memory_space<vmem>>
    %dma_wait3A_101 = arith.constant 0 : i32
    %dma_wait3A_102 = arith.constant 0 : i32
    %dma_wait3A_103 = tpu.memref_slice %arg4[%dma_wait3A_101, %dma_wait3A_102] : memref<131072x128xf32, #tpu.memory_space<hbm>> -> memref<131072x128xf32, #tpu.memory_space<hbm>>
    tpu.wait_indirect_dma semaphore(%arg15 : memref<!tpu.dma_semaphore, #tpu.memory_space<semaphore_mem>>) src(%dma_wait3A_103 : memref<131072x128xf32, #tpu.memory_space<hbm>>) dst(%dma_wait3A_97 : memref<128x128xf32, #tpu.memory_space<vmem>>)
    %dma_wait3A_104 = arith.constant 0 : i32
    %dma_wait3A_105 = arith.constant 0 : i32
    %dma_wait3A_106 = tpu.memref_slice %arg3[%dma_wait3A_104, %dma_wait3A_105] : memref<4096x128xf32, #tpu.memory_space<hbm>> -> memref<4096x128xf32, #tpu.memory_space<hbm>>
    tpu.wait_indirect_dma semaphore(%arg15 : memref<!tpu.dma_semaphore, #tpu.memory_space<semaphore_mem>>) src(%dma_wait3A_106 : memref<4096x128xf32, #tpu.memory_space<hbm>>) dst(%arg9 : memref<16x128xf32, #tpu.memory_space<vmem>>)
    "tpu.region"() ({
      %run_scoped3A = tpu.sem_alloc : memref<!tpu.dma_semaphore, #tpu.memory_space<semaphore_mem>>
      %dma_start3A_114 = arith.constant 0 : i32
      %dma_start3A_115 = tpu.memref_slice %arg5[%mul3A_2, %dma_start3A_114] : memref<512x128xf32, #tpu.memory_space<hbm>> -> memref<16x128xf32, #tpu.memory_space<hbm>>
      %dma_start3A_116 = arith.constant 0 : i32
      %dma_start3A_117 = tpu.memref_slice %arg5[%mul3A_2, %dma_start3A_116] : memref<512x128xf32, #tpu.memory_space<hbm>> -> memref<16x128xf32, #tpu.memory_space<hbm>>
      tpu.enqueue_dma source(%arg9 : memref<16x128xf32, #tpu.memory_space<vmem>>) target(%dma_start3A_117 : memref<16x128xf32, #tpu.memory_space<hbm>>) target_semaphore(%run_scoped3A : memref<!tpu.dma_semaphore, #tpu.memory_space<semaphore_mem>>)
      %dma_wait3A_118 = arith.constant 0 : i32
      %dma_wait3A_119 = tpu.memref_slice %arg5[%mul3A_2, %dma_wait3A_118] : memref<512x128xf32, #tpu.memory_space<hbm>> -> memref<16x128xf32, #tpu.memory_space<hbm>>
      %dma_wait3A_120 = arith.constant 0 : i32
      %dma_wait3A_121 = tpu.memref_slice %arg5[%mul3A_2, %dma_wait3A_120] : memref<512x128xf32, #tpu.memory_space<hbm>> -> memref<16x128xf32, #tpu.memory_space<hbm>>
      tpu.wait_dma2 semaphore(%run_scoped3A : memref<!tpu.dma_semaphore, #tpu.memory_space<semaphore_mem>>) src(%arg9 : memref<16x128xf32, #tpu.memory_space<vmem>>) dst(%dma_wait3A_121 : memref<16x128xf32, #tpu.memory_space<hbm>>)
      tpu.yield
    }) : () -> ()
    %scan3A_107 = arith.constant 0 : i32
    %scan3A_108 = arith.constant 16 : i32
    %scan3A_109 = arith.addi %scan3A_107, %scan3A_108 : i32
    %scan3A_110 = arith.constant 1 : i32
    scf.for %scan3A_114 = %scan3A_107 to %scan3A_109 step %scan3A_110  : i32 {
      %mul3A_115 = arith.constant 1 : i32
      %mul3A_116 = arith.muli %scan3A_114, %mul3A_115 : i32
      %add3A_117 = arith.constant 0 : i32
      %add3A_118 = arith.addi %add3A_117, %mul3A_116 : i32
      %broadcast_in_dim3A = vector.broadcast %add3A_118 : i32 to vector<16xi32>
      %shift_right_arithmetic3A_119 = arith.constant 3 : i32
      %shift_right_arithmetic3A_120 = arith.shrsi %add3A_118, %shift_right_arithmetic3A_119 : i32
      %mul3A_121 = arith.constant 32 : i32
      %mul3A_122 = arith.muli %shift_right_arithmetic3A_120, %mul3A_121 : i32
      %and3A_123 = arith.constant 7 : i32
      %and3A_124 = arith.andi %add3A_118, %and3A_123 : i32
      %add3A_125 = arith.addi %mul3A_122, %and3A_124 : i32
      %scan3A_126 = arith.constant 0 : i32
      %scan3A_127 = arith.constant 32 : i32
      %scan3A_128 = arith.addi %scan3A_126, %scan3A_127 : i32
      %scan3A_129 = arith.constant 8 : i32
      scf.for %scan3A_131 = %scan3A_126 to %scan3A_128 step %scan3A_129  : i32 {
        %mul3A_132 = arith.constant 1 : i32
        %mul3A_133 = arith.muli %scan3A_131, %mul3A_132 : i32
        %add3A_134 = arith.constant 0 : i32
        %add3A_135 = arith.addi %add3A_134, %mul3A_133 : i32
        %mul3A_136 = arith.constant 16 : i32
        %mul3A_137 = arith.muli %add3A_135, %mul3A_136 : i32
        %get3A_138 = arith.index_cast %mul3A_137 : i32 to index
        %get3A_139 = tpu.vector_load %arg11[%get3A_138] {strides = array<i32>} : memref<512xi32, #tpu.memory_space<vmem>>, vector<16xi32>,
        %add3A_140 = arith.addi %get3A_139, %broadcast_in_dim3A : vector<16xi32>
        %mul3A_141 = arith.constant 16 : i32
        %mul3A_142 = arith.muli %add3A_135, %mul3A_141 : i32
        %get3A_143 = arith.index_cast %mul3A_142 : i32 to index
        %get3A_144 = tpu.vector_load %arg12[%get3A_143] {strides = array<i32>} : memref<512xi32, #tpu.memory_space<vmem>>, vector<16xi32>,
        %gather3A = tpu.vector_load_idx %arg13[%add3A_140, %get3A_144] : memref<512x128xf32, #tpu.memory_space<vmem>>[vector<16xi32>, vector<16xi32>], vector<16xf32>,
        %shift_right_arithmetic3A_145 = arith.constant 3 : i32
        %shift_right_arithmetic3A_146 = arith.shrsi %add3A_135, %shift_right_arithmetic3A_145 : i32
        %mul3A_147 = arith.constant 8 : i32
        %mul3A_148 = arith.muli %shift_right_arithmetic3A_146, %mul3A_147 : i32
        %add3A_149 = arith.addi %add3A_125, %mul3A_148 : i32
        %and3A_150 = arith.constant 7 : i32
        %and3A_151 = arith.andi %add3A_135, %and3A_150 : i32
        %mul3A_152 = arith.constant 16 : i32
        %mul3A_153 = arith.muli %and3A_151, %mul3A_152 : i32
        %swap3A = arith.index_cast %add3A_149 : i32 to index
        %swap3A_154 = arith.index_cast %mul3A_153 : i32 to index
        %swap3A_155 = tpu.vector_load %arg14[%swap3A, %swap3A_154] {strides = array<i32>} : memref<64x128xf32, #tpu.memory_space<vmem>>, vector<16xf32>,
        tpu.vector_store %arg14[%swap3A, %swap3A_154], %gather3A {strides = array<i32>} : memref<64x128xf32, #tpu.memory_space<vmem>>, vector<16xf32>,
        %scan3A_156 = arith.constant 1 : i32
        %scan3A_157 = arith.addi %scan3A_131, %scan3A_156 : i32
        %mul3A_158 = arith.constant 1 : i32
        %mul3A_159 = arith.muli %scan3A_157, %mul3A_158 : i32
        %add3A_160 = arith.constant 0 : i32
        %add3A_161 = arith.addi %add3A_160, %mul3A_159 : i32
        %mul3A_162 = arith.constant 16 : i32
        %mul3A_163 = arith.muli %add3A_161, %mul3A_162 : i32
        %get3A_164 = arith.index_cast %mul3A_163 : i32 to index
        %get3A_165 = tpu.vector_load %arg11[%get3A_164] {strides = array<i32>} : memref<512xi32, #tpu.memory_space<vmem>>, vector<16xi32>,
        %add3A_166 = arith.addi %get3A_165, %broadcast_in_dim3A : vector<16xi32>
        %mul3A_167 = arith.constant 16 : i32
        %mul3A_168 = arith.muli %add3A_161, %mul3A_167 : i32
        %get3A_169 = arith.index_cast %mul3A_168 : i32 to index
        %get3A_170 = tpu.vector_load %arg12[%get3A_169] {strides = array<i32>} : memref<512xi32, #tpu.memory_space<vmem>>, vector<16xi32>,
        %gather3A_171 = tpu.vector_load_idx %arg13[%add3A_166, %get3A_170] : memref<512x128xf32, #tpu.memory_space<vmem>>[vector<16xi32>, vector<16xi32>], vector<16xf32>,
        %shift_right_arithmetic3A_172 = arith.constant 3 : i32
        %shift_right_arithmetic3A_173 = arith.shrsi %add3A_161, %shift_right_arithmetic3A_172 : i32
        %mul3A_174 = arith.constant 8 : i32
        %mul3A_175 = arith.muli %shift_right_arithmetic3A_173, %mul3A_174 : i32
        %add3A_176 = arith.addi %add3A_125, %mul3A_175 : i32
        %and3A_177 = arith.constant 7 : i32
        %and3A_178 = arith.andi %add3A_161, %and3A_177 : i32
        %mul3A_179 = arith.constant 16 : i32
        %mul3A_180 = arith.muli %and3A_178, %mul3A_179 : i32
        %swap3A_181 = arith.index_cast %add3A_176 : i32 to index
        %swap3A_182 = arith.index_cast %mul3A_180 : i32 to index
        %swap3A_183 = tpu.vector_load %arg14[%swap3A_181, %swap3A_182] {strides = array<i32>} : memref<64x128xf32, #tpu.memory_space<vmem>>, vector<16xf32>,
        tpu.vector_store %arg14[%swap3A_181, %swap3A_182], %gather3A_171 {strides = array<i32>} : memref<64x128xf32, #tpu.memory_space<vmem>>, vector<16xf32>,
        %scan3A_184 = arith.constant 2 : i32
        %scan3A_185 = arith.addi %scan3A_131, %scan3A_184 : i32
        %mul3A_186 = arith.constant 1 : i32
        %mul3A_187 = arith.muli %scan3A_185, %mul3A_186 : i32
        %add3A_188 = arith.constant 0 : i32
        %add3A_189 = arith.addi %add3A_188, %mul3A_187 : i32
        %mul3A_190 = arith.constant 16 : i32
        %mul3A_191 = arith.muli %add3A_189, %mul3A_190 : i32
        %get3A_192 = arith.index_cast %mul3A_191 : i32 to index
        %get3A_193 = tpu.vector_load %arg11[%get3A_192] {strides = array<i32>} : memref<512xi32, #tpu.memory_space<vmem>>, vector<16xi32>,
        %add3A_194 = arith.addi %get3A_193, %broadcast_in_dim3A : vector<16xi32>
        %mul3A_195 = arith.constant 16 : i32
        %mul3A_196 = arith.muli %add3A_189, %mul3A_195 : i32
        %get3A_197 = arith.index_cast %mul3A_196 : i32 to index
        %get3A_198 = tpu.vector_load %arg12[%get3A_197] {strides = array<i32>} : memref<512xi32, #tpu.memory_space<vmem>>, vector<16xi32>,
        %gather3A_199 = tpu.vector_load_idx %arg13[%add3A_194, %get3A_198] : memref<512x128xf32, #tpu.memory_space<vmem>>[vector<16xi32>, vector<16xi32>], vector<16xf32>,
        %shift_right_arithmetic3A_200 = arith.constant 3 : i32
        %shift_right_arithmetic3A_201 = arith.shrsi %add3A_189, %shift_right_arithmetic3A_200 : i32
        %mul3A_202 = arith.constant 8 : i32
        %mul3A_203 = arith.muli %shift_right_arithmetic3A_201, %mul3A_202 : i32
        %add3A_204 = arith.addi %add3A_125, %mul3A_203 : i32
        %and3A_205 = arith.constant 7 : i32
        %and3A_206 = arith.andi %add3A_189, %and3A_205 : i32
        %mul3A_207 = arith.constant 16 : i32
        %mul3A_208 = arith.muli %and3A_206, %mul3A_207 : i32
        %swap3A_209 = arith.index_cast %add3A_204 : i32 to index
        %swap3A_210 = arith.index_cast %mul3A_208 : i32 to index
        %swap3A_211 = tpu.vector_load %arg14[%swap3A_209, %swap3A_210] {strides = array<i32>} : memref<64x128xf32, #tpu.memory_space<vmem>>, vector<16xf32>,
        tpu.vector_store %arg14[%swap3A_209, %swap3A_210], %gather3A_199 {strides = array<i32>} : memref<64x128xf32, #tpu.memory_space<vmem>>, vector<16xf32>,
        %scan3A_212 = arith.constant 3 : i32
        %scan3A_213 = arith.addi %scan3A_131, %scan3A_212 : i32
        %mul3A_214 = arith.constant 1 : i32
        %mul3A_215 = arith.muli %scan3A_213, %mul3A_214 : i32
        %add3A_216 = arith.constant 0 : i32
        %add3A_217 = arith.addi %add3A_216, %mul3A_215 : i32
        %mul3A_218 = arith.constant 16 : i32
        %mul3A_219 = arith.muli %add3A_217, %mul3A_218 : i32
        %get3A_220 = arith.index_cast %mul3A_219 : i32 to index
        %get3A_221 = tpu.vector_load %arg11[%get3A_220] {strides = array<i32>} : memref<512xi32, #tpu.memory_space<vmem>>, vector<16xi32>,
        %add3A_222 = arith.addi %get3A_221, %broadcast_in_dim3A : vector<16xi32>
        %mul3A_223 = arith.constant 16 : i32
        %mul3A_224 = arith.muli %add3A_217, %mul3A_223 : i32
        %get3A_225 = arith.index_cast %mul3A_224 : i32 to index
        %get3A_226 = tpu.vector_load %arg12[%get3A_225] {strides = array<i32>} : memref<512xi32, #tpu.memory_space<vmem>>, vector<16xi32>,
        %gather3A_227 = tpu.vector_load_idx %arg13[%add3A_222, %get3A_226] : memref<512x128xf32, #tpu.memory_space<vmem>>[vector<16xi32>, vector<16xi32>], vector<16xf32>,
        %shift_right_arithmetic3A_228 = arith.constant 3 : i32
        %shift_right_arithmetic3A_229 = arith.shrsi %add3A_217, %shift_right_arithmetic3A_228 : i32
        %mul3A_230 = arith.constant 8 : i32
        %mul3A_231 = arith.muli %shift_right_arithmetic3A_229, %mul3A_230 : i32
        %add3A_232 = arith.addi %add3A_125, %mul3A_231 : i32
        %and3A_233 = arith.constant 7 : i32
        %and3A_234 = arith.andi %add3A_217, %and3A_233 : i32
        %mul3A_235 = arith.constant 16 : i32
        %mul3A_236 = arith.muli %and3A_234, %mul3A_235 : i32
        %swap3A_237 = arith.index_cast %add3A_232 : i32 to index
        %swap3A_238 = arith.index_cast %mul3A_236 : i32 to index
        %swap3A_239 = tpu.vector_load %arg14[%swap3A_237, %swap3A_238] {strides = array<i32>} : memref<64x128xf32, #tpu.memory_space<vmem>>, vector<16xf32>,
        tpu.vector_store %arg14[%swap3A_237, %swap3A_238], %gather3A_227 {strides = array<i32>} : memref<64x128xf32, #tpu.memory_space<vmem>>, vector<16xf32>,
        %scan3A_240 = arith.constant 4 : i32
        %scan3A_241 = arith.addi %scan3A_131, %scan3A_240 : i32
        %mul3A_242 = arith.constant 1 : i32
        %mul3A_243 = arith.muli %scan3A_241, %mul3A_242 : i32
        %add3A_244 = arith.constant 0 : i32
        %add3A_245 = arith.addi %add3A_244, %mul3A_243 : i32
        %mul3A_246 = arith.constant 16 : i32
        %mul3A_247 = arith.muli %add3A_245, %mul3A_246 : i32
        %get3A_248 = arith.index_cast %mul3A_247 : i32 to index
        %get3A_249 = tpu.vector_load %arg11[%get3A_248] {strides = array<i32>} : memref<512xi32, #tpu.memory_space<vmem>>, vector<16xi32>,
        %add3A_250 = arith.addi %get3A_249, %broadcast_in_dim3A : vector<16xi32>
        %mul3A_251 = arith.constant 16 : i32
        %mul3A_252 = arith.muli %add3A_245, %mul3A_251 : i32
        %get3A_253 = arith.index_cast %mul3A_252 : i32 to index
        %get3A_254 = tpu.vector_load %arg12[%get3A_253] {strides = array<i32>} : memref<512xi32, #tpu.memory_space<vmem>>, vector<16xi32>,
        %gather3A_255 = tpu.vector_load_idx %arg13[%add3A_250, %get3A_254] : memref<512x128xf32, #tpu.memory_space<vmem>>[vector<16xi32>, vector<16xi32>], vector<16xf32>,
        %shift_right_arithmetic3A_256 = arith.constant 3 : i32
        %shift_right_arithmetic3A_257 = arith.shrsi %add3A_245, %shift_right_arithmetic3A_256 : i32
        %mul3A_258 = arith.constant 8 : i32
        %mul3A_259 = arith.muli %shift_right_arithmetic3A_257, %mul3A_258 : i32
        %add3A_260 = arith.addi %add3A_125, %mul3A_259 : i32
        %and3A_261 = arith.constant 7 : i32
        %and3A_262 = arith.andi %add3A_245, %and3A_261 : i32
        %mul3A_263 = arith.constant 16 : i32
        %mul3A_264 = arith.muli %and3A_262, %mul3A_263 : i32
        %swap3A_265 = arith.index_cast %add3A_260 : i32 to index
        %swap3A_266 = arith.index_cast %mul3A_264 : i32 to index
        %swap3A_267 = tpu.vector_load %arg14[%swap3A_265, %swap3A_266] {strides = array<i32>} : memref<64x128xf32, #tpu.memory_space<vmem>>, vector<16xf32>,
        tpu.vector_store %arg14[%swap3A_265, %swap3A_266], %gather3A_255 {strides = array<i32>} : memref<64x128xf32, #tpu.memory_space<vmem>>, vector<16xf32>,
        %scan3A_268 = arith.constant 5 : i32
        %scan3A_269 = arith.addi %scan3A_131, %scan3A_268 : i32
        %mul3A_270 = arith.constant 1 : i32
        %mul3A_271 = arith.muli %scan3A_269, %mul3A_270 : i32
        %add3A_272 = arith.constant 0 : i32
        %add3A_273 = arith.addi %add3A_272, %mul3A_271 : i32
        %mul3A_274 = arith.constant 16 : i32
        %mul3A_275 = arith.muli %add3A_273, %mul3A_274 : i32
        %get3A_276 = arith.index_cast %mul3A_275 : i32 to index
        %get3A_277 = tpu.vector_load %arg11[%get3A_276] {strides = array<i32>} : memref<512xi32, #tpu.memory_space<vmem>>, vector<16xi32>,
        %add3A_278 = arith.addi %get3A_277, %broadcast_in_dim3A : vector<16xi32>
        %mul3A_279 = arith.constant 16 : i32
        %mul3A_280 = arith.muli %add3A_273, %mul3A_279 : i32
        %get3A_281 = arith.index_cast %mul3A_280 : i32 to index
        %get3A_282 = tpu.vector_load %arg12[%get3A_281] {strides = array<i32>} : memref<512xi32, #tpu.memory_space<vmem>>, vector<16xi32>,
        %gather3A_283 = tpu.vector_load_idx %arg13[%add3A_278, %get3A_282] : memref<512x128xf32, #tpu.memory_space<vmem>>[vector<16xi32>, vector<16xi32>], vector<16xf32>,
        %shift_right_arithmetic3A_284 = arith.constant 3 : i32
        %shift_right_arithmetic3A_285 = arith.shrsi %add3A_273, %shift_right_arithmetic3A_284 : i32
        %mul3A_286 = arith.constant 8 : i32
        %mul3A_287 = arith.muli %shift_right_arithmetic3A_285, %mul3A_286 : i32
        %add3A_288 = arith.addi %add3A_125, %mul3A_287 : i32
        %and3A_289 = arith.constant 7 : i32
        %and3A_290 = arith.andi %add3A_273, %and3A_289 : i32
        %mul3A_291 = arith.constant 16 : i32
        %mul3A_292 = arith.muli %and3A_290, %mul3A_291 : i32
        %swap3A_293 = arith.index_cast %add3A_288 : i32 to index
        %swap3A_294 = arith.index_cast %mul3A_292 : i32 to index
        %swap3A_295 = tpu.vector_load %arg14[%swap3A_293, %swap3A_294] {strides = array<i32>} : memref<64x128xf32, #tpu.memory_space<vmem>>, vector<16xf32>,
        tpu.vector_store %arg14[%swap3A_293, %swap3A_294], %gather3A_283 {strides = array<i32>} : memref<64x128xf32, #tpu.memory_space<vmem>>, vector<16xf32>,
        %scan3A_296 = arith.constant 6 : i32
        %scan3A_297 = arith.addi %scan3A_131, %scan3A_296 : i32
        %mul3A_298 = arith.constant 1 : i32
        %mul3A_299 = arith.muli %scan3A_297, %mul3A_298 : i32
        %add3A_300 = arith.constant 0 : i32
        %add3A_301 = arith.addi %add3A_300, %mul3A_299 : i32
        %mul3A_302 = arith.constant 16 : i32
        %mul3A_303 = arith.muli %add3A_301, %mul3A_302 : i32
        %get3A_304 = arith.index_cast %mul3A_303 : i32 to index
        %get3A_305 = tpu.vector_load %arg11[%get3A_304] {strides = array<i32>} : memref<512xi32, #tpu.memory_space<vmem>>, vector<16xi32>,
        %add3A_306 = arith.addi %get3A_305, %broadcast_in_dim3A : vector<16xi32>
        %mul3A_307 = arith.constant 16 : i32
        %mul3A_308 = arith.muli %add3A_301, %mul3A_307 : i32
        %get3A_309 = arith.index_cast %mul3A_308 : i32 to index
        %get3A_310 = tpu.vector_load %arg12[%get3A_309] {strides = array<i32>} : memref<512xi32, #tpu.memory_space<vmem>>, vector<16xi32>,
        %gather3A_311 = tpu.vector_load_idx %arg13[%add3A_306, %get3A_310] : memref<512x128xf32, #tpu.memory_space<vmem>>[vector<16xi32>, vector<16xi32>], vector<16xf32>,
        %shift_right_arithmetic3A_312 = arith.constant 3 : i32
        %shift_right_arithmetic3A_313 = arith.shrsi %add3A_301, %shift_right_arithmetic3A_312 : i32
        %mul3A_314 = arith.constant 8 : i32
        %mul3A_315 = arith.muli %shift_right_arithmetic3A_313, %mul3A_314 : i32
        %add3A_316 = arith.addi %add3A_125, %mul3A_315 : i32
        %and3A_317 = arith.constant 7 : i32
        %and3A_318 = arith.andi %add3A_301, %and3A_317 : i32
        %mul3A_319 = arith.constant 16 : i32
        %mul3A_320 = arith.muli %and3A_318, %mul3A_319 : i32
        %swap3A_321 = arith.index_cast %add3A_316 : i32 to index
        %swap3A_322 = arith.index_cast %mul3A_320 : i32 to index
        %swap3A_323 = tpu.vector_load %arg14[%swap3A_321, %swap3A_322] {strides = array<i32>} : memref<64x128xf32, #tpu.memory_space<vmem>>, vector<16xf32>,
        tpu.vector_store %arg14[%swap3A_321, %swap3A_322], %gather3A_311 {strides = array<i32>} : memref<64x128xf32, #tpu.memory_space<vmem>>, vector<16xf32>,
        %scan3A_324 = arith.constant 7 : i32
        %scan3A_325 = arith.addi %scan3A_131, %scan3A_324 : i32
        %mul3A_326 = arith.constant 1 : i32
        %mul3A_327 = arith.muli %scan3A_325, %mul3A_326 : i32
        %add3A_328 = arith.constant 0 : i32
        %add3A_329 = arith.addi %add3A_328, %mul3A_327 : i32
        %mul3A_330 = arith.constant 16 : i32
        %mul3A_331 = arith.muli %add3A_329, %mul3A_330 : i32
        %get3A_332 = arith.index_cast %mul3A_331 : i32 to index
        %get3A_333 = tpu.vector_load %arg11[%get3A_332] {strides = array<i32>} : memref<512xi32, #tpu.memory_space<vmem>>, vector<16xi32>,
        %add3A_334 = arith.addi %get3A_333, %broadcast_in_dim3A : vector<16xi32>
        %mul3A_335 = arith.constant 16 : i32
        %mul3A_336 = arith.muli %add3A_329, %mul3A_335 : i32
        %get3A_337 = arith.index_cast %mul3A_336 : i32 to index
        %get3A_338 = tpu.vector_load %arg12[%get3A_337] {strides = array<i32>} : memref<512xi32, #tpu.memory_space<vmem>>, vector<16xi32>,
        %gather3A_339 = tpu.vector_load_idx %arg13[%add3A_334, %get3A_338] : memref<512x128xf32, #tpu.memory_space<vmem>>[vector<16xi32>, vector<16xi32>], vector<16xf32>,
        %shift_right_arithmetic3A_340 = arith.constant 3 : i32
        %shift_right_arithmetic3A_341 = arith.shrsi %add3A_329, %shift_right_arithmetic3A_340 : i32
        %mul3A_342 = arith.constant 8 : i32
        %mul3A_343 = arith.muli %shift_right_arithmetic3A_341, %mul3A_342 : i32
        %add3A_344 = arith.addi %add3A_125, %mul3A_343 : i32
        %and3A_345 = arith.constant 7 : i32
        %and3A_346 = arith.andi %add3A_329, %and3A_345 : i32
        %mul3A_347 = arith.constant 16 : i32
        %mul3A_348 = arith.muli %and3A_346, %mul3A_347 : i32
        %swap3A_349 = arith.index_cast %add3A_344 : i32 to index
        %swap3A_350 = arith.index_cast %mul3A_348 : i32 to index
        %swap3A_351 = tpu.vector_load %arg14[%swap3A_349, %swap3A_350] {strides = array<i32>} : memref<64x128xf32, #tpu.memory_space<vmem>>, vector<16xf32>,
        tpu.vector_store %arg14[%swap3A_349, %swap3A_350], %gather3A_339 {strides = array<i32>} : memref<64x128xf32, #tpu.memory_space<vmem>>, vector<16xf32>,
      }
      %scan3A_130 = arith.constant 32 : i32
    }
    %scan3A_111 = arith.constant 16 : i32
    %mul3A_112 = arith.constant 64 : i32
    %mul3A_113 = arith.muli %add3A, %mul3A_112 : i32
    "tpu.region"() ({
      %run_scoped3A = tpu.sem_alloc : memref<!tpu.dma_semaphore, #tpu.memory_space<semaphore_mem>>
      %dma_start3A_114 = arith.constant 0 : i32
      %dma_start3A_115 = tpu.memref_slice %arg6[%mul3A_113, %dma_start3A_114] : memref<2048x128xf32, #tpu.memory_space<hbm>> -> memref<64x128xf32, #tpu.memory_space<hbm>>
      %dma_start3A_116 = arith.constant 0 : i32
      %dma_start3A_117 = tpu.memref_slice %arg6[%mul3A_113, %dma_start3A_116] : memref<2048x128xf32, #tpu.memory_space<hbm>> -> memref<64x128xf32, #tpu.memory_space<hbm>>
      tpu.enqueue_dma source(%arg14 : memref<64x128xf32, #tpu.memory_space<vmem>>) target(%dma_start3A_117 : memref<64x128xf32, #tpu.memory_space<hbm>>) target_semaphore(%run_scoped3A : memref<!tpu.dma_semaphore, #tpu.memory_space<semaphore_mem>>)
      %dma_wait3A_118 = arith.constant 0 : i32
      %dma_wait3A_119 = tpu.memref_slice %arg6[%mul3A_113, %dma_wait3A_118] : memref<2048x128xf32, #tpu.memory_space<hbm>> -> memref<64x128xf32, #tpu.memory_space<hbm>>
      %dma_wait3A_120 = arith.constant 0 : i32
      %dma_wait3A_121 = tpu.memref_slice %arg6[%mul3A_113, %dma_wait3A_120] : memref<2048x128xf32, #tpu.memory_space<hbm>> -> memref<64x128xf32, #tpu.memory_space<hbm>>
      tpu.wait_dma2 semaphore(%run_scoped3A : memref<!tpu.dma_semaphore, #tpu.memory_space<semaphore_mem>>) src(%arg14 : memref<64x128xf32, #tpu.memory_space<vmem>>) dst(%dma_wait3A_121 : memref<64x128xf32, #tpu.memory_space<hbm>>)
      tpu.yield
    }) : () -> ()
    return
  }
}

module attributes {stable_mosaic.version = 14 : i64} {
  func.func @_tc_loss_body(%arg0: memref<512x128xf32, #tpu.memory_space<vmem>>, %arg1: memref<512x512xf32, #tpu.memory_space<vmem>>, %arg2: memref<1x1xf32, #tpu.memory_space<smem>>) attributes {dimension_semantics = [], scalar_prefetch = 0 : i64, scratch_operands = 0 : i64, tpu.core_type = #tpu.core_type<tc>} {
    %get3A = arith.constant 0 : index
    %get3A_0 = arith.constant 0 : index
    %get3A_1 = vector.load %arg0[%get3A, %get3A_0] : memref<512x128xf32, #tpu.memory_space<vmem>>, vector<512x128xf32>
    %get3A_2 = arith.constant 0 : index
    %get3A_3 = arith.constant 0 : index
    %get3A_4 = vector.load %arg1[%get3A_2, %get3A_3] : memref<512x512xf32, #tpu.memory_space<vmem>>, vector<512x512xf32>
    %dot_general3A = arith.constant dense<0.000000e+00> : vector<512x512xf32>
    %dot_general3A_5 = tpu.matmul %get3A_1, %get3A_1, %dot_general3A {dimension_numbers = #tpu.dot_dimension_numbers<[1], [1], [0], [0], [0, 0, 1, 0], [], []>, precision = #tpu.contract_precision<fp32>, transpose_lhs_hint = false} : vector<512x128xf32>, vector<512x128xf32>, vector<512x512xf32> -> vector<512x512xf32>
    %iota3A = tpu.iota {dimensions = array<i32: 0>} : vector<512x512xi32>
    %iota3A_6 = tpu.iota {dimensions = array<i32: 1>} : vector<512x512xi32>
    %eq3A = arith.cmpi eq, %iota3A, %iota3A_6 : vector<512x512xi32>
    %jit3A = arith.constant 0.000000e+00 : f32
    %broadcast_in_dim3A = vector.broadcast %jit3A : f32 to vector<512x512xf32>
    %select_n3A = arith.select %eq3A, %dot_general3A_5, %broadcast_in_dim3A : vector<512x512xi1>, vector<512x512xf32>
    %reduce_sum3A = arith.constant dense<0.000000e+00> : vector<512xf32>
    %reduce_sum3A_7 = vector.multi_reduction <add>, %select_n3A, %reduce_sum3A [1] : vector<512x512xf32> to vector<512xf32>
    %broadcast_in_dim3A_8 = vector.shape_cast %reduce_sum3A_7 : vector<512xf32> to vector<512x1xf32>
    %reduce_sum3A_9 = arith.constant dense<0.000000e+00> : vector<512xf32>
    %reduce_sum3A_10 = vector.multi_reduction <add>, %select_n3A, %reduce_sum3A_9 [0] : vector<512x512xf32> to vector<512xf32>
    %broadcast_in_dim3A_11 = vector.shape_cast %reduce_sum3A_10 : vector<512xf32> to vector<1x512xf32>
    %add3A = vector.broadcast %broadcast_in_dim3A_8 : vector<512x1xf32> to vector<512x512xf32>
    %add3A_12 = vector.broadcast %broadcast_in_dim3A_11 : vector<1x512xf32> to vector<512x512xf32>
    %add3A_13 = arith.addf %add3A, %add3A_12 : vector<512x512xf32>
    %mul3A = arith.constant 2.000000e+00 : f32
    %mul3A_14 = vector.broadcast %mul3A : f32 to vector<512x512xf32>
    %mul3A_15 = arith.mulf %mul3A_14, %dot_general3A_5 : vector<512x512xf32>
    %sub3A = arith.subf %add3A_13, %mul3A_15 : vector<512x512xf32>
    %max3A = arith.constant 0.000000e+00 : f32
    %max3A_16 = vector.broadcast %max3A : f32 to vector<512x512xf32>
    %max3A_17 = arith.maximumf %sub3A, %max3A_16 : vector<512x512xf32>
    %add3A_18 = arith.constant 9.99999996E-13 : f32
    %add3A_19 = vector.broadcast %add3A_18 : f32 to vector<512x512xf32>
    %add3A_20 = arith.addf %max3A_17, %add3A_19 : vector<512x512xf32>
    %mul3A_21 = arith.mulf %get3A_4, %get3A_4 : vector<512x512xf32>
    %div3A = arith.divf %add3A_20, %mul3A_21 : vector<512x512xf32>
    %sub3A_22 = arith.constant 1.000000e+00 : f32
    %sub3A_23 = vector.broadcast %sub3A_22 : f32 to vector<512x512xf32>
    %sub3A_24 = arith.subf %div3A, %sub3A_23 : vector<512x512xf32>
    %abs3A = math.absf %sub3A_24 : vector<512x512xf32>
    %gt3A = arith.cmpi sgt, %iota3A_6, %iota3A : vector<512x512xi32>
    %jit3A_25 = arith.constant 0.000000e+00 : f32
    %broadcast_in_dim3A_26 = vector.broadcast %jit3A_25 : f32 to vector<512x512xf32>
    %select_n3A_27 = arith.select %gt3A, %abs3A, %broadcast_in_dim3A_26 : vector<512x512xi1>, vector<512x512xf32>
    %reduce_sum3A_28 = vector.shape_cast %select_n3A_27 : vector<512x512xf32> to vector<1x512x512xf32>
    %reduce_sum3A_29 = arith.constant dense<0.000000e+00> : vector<1xf32>
    %reduce_sum3A_30 = vector.multi_reduction <add>, %reduce_sum3A_28, %reduce_sum3A_29 [1, 2] : vector<1x512x512xf32> to vector<1xf32>
    %reduce_sum3A_31 = vector.shape_cast %reduce_sum3A_30 : vector<1xf32> to vector<1x1x1xf32>
    %reduce_sum3A_32 = vector.extract %reduce_sum3A_31[0, 0, 0] : f32 from vector<1x1x1xf32>
    %swap3A = arith.constant 0 : index
    %swap3A_33 = arith.constant 0 : index
    %swap3A_34 = memref.load %arg2[%swap3A, %swap3A_33] : memref<1x1xf32, #tpu.memory_space<smem>>
    memref.store %reduce_sum3A_32, %arg2[%swap3A, %swap3A_33] : memref<1x1xf32, #tpu.memory_space<smem>>
    return
  }
}

</mosaic_0001>

<sc_bundles>
// kernel: kernel.4.cloned.1.call-start
scs
__scs_entry_jumppad:
0x0: {  	(pc) =	sbr.rel $0x88, $3  }
0x1: {  	(tag) =	ssettag $0x0;
	lr =	simm.s32 $0x1  }
0x2: {  	[smem:$0x3F9E] =	sst lr;
	_ =	strace $0xD0000000  }
0x3: {  	_ = 	snop  }
0x4: {  	_ = 	snop  }
0x5: {  	_ = 	snop  }
0x6: {  	_ = 	snop  }
0x7: {  	_ = 	snop  }
__scs_overlays_trampoline_lowered:
0x8: {  	[smem:$0x3FAD] =	sst s0  }
0x9: {  	[smem:$0x3FAE] =	sst s1  }
0xa: {  	[smem:$0x3FAF] =	sst s2  }
0xb: {  	[smem:$0x3FB0] =	sst s3  }
0xc: {  	[smem:$0x3FB1] =	sst s4  }
0xd: {  	[smem:$0x3FB2] =	sst s5  }
0xe: {  	[smem:$0x3FB3] =	sst s6  }
0xf: {  	[smem:$0x3FB4] =	sst s7  }
0x10: {  	[smem:$0x3FB5] =	sst s8  }
0x11: {  	[smem:$0x3FB6] =	sst s9;
	s0 =	simm.s32 @!p0 $0x0  }
0x12: {  	s1 =	sld [smem:$0x3F9C];
	s0 =	simm.s32 @p0 $0x1  }
0x13: {  	[smem:$0x3FB7] =	sst s0;
	s0 =	simm.s32 @!p1 $0x0  }
0x14: {  	s2 =	sld [smem:$0x3F9B];
	s0 =	simm.s32 @p1 $0x1  }
0x15: {  	[smem:$0x3FB8] =	sst s0;
	s0 =	simm.s32 @!p2 $0x0  }
0x16: {  	s3 =	sld [smem:$0x3FDB];
	s0 =	simm.s32 @p2 $0x1  }
0x17: {  	s4 =	simm.s32 $0x1BF5;
	[smem:$0x3FBA] =	sst s0  }
0x18: {  	s0 =	sld [smem:$0x3F9D];
	_ =	swait.ge [sflag:s4], $0x0  }
0x19: {  	s7 =	sld [smem:$0x3F9E]  }
0x1a: {  	s8 =	sadd.s32 $0xFFFFE003, lr  }
0x1b: {  	s9 =	sadd.s32 $0xFFFFFEF7, lr;
	s5 =	simm.s32 $0xFFFFFFFF;
	p2 =	slt.u32 s8, $0xFFFFF086  }
0x1c: {  	p1 =	slt.u32 s9, $0xF7A;
	s5 =	simm.s32 @!p2 $0x0  }
0x1d: {  	s5 =	simm.s32 @p1 $0x1;
	p0 =	seq.s32 s7, s2  }
0x1e: {  	s7 =	smul.u32 @!p0 $0xF7A, s2;
	p2 =	seq.s32 @!p0 s5, $0x0  }
0x1f: {  	s9 =	smul.u32 $0xF7A, s1;
	s8 =	simm.s32 @!p0 $0x1BF5;
	p2 =	por !p2, p0  }
0x20: {  	[sflag:s8] =	ssyncset.s32 @!p0 $0xFFFFF086;
	s6 =	sadd.s32 @!p0 s3, s7;
	s7 =	simm.s32 @!p0 $0x108  }
0x21: {  	s3 =	sadd.s32 s3, s9;
	s6 =	sadd.s32 @!p0 $0x88, s6;
	s7 =	simm.s32 @p2 $0x1082  }
0x22: {  	[simem:s7], [sflag:s8] =	dma.local @!p0 [hbm:s6], $0xF7A  }
0x23: {  	s9 =	sor.u32 $0xD0000000, s2;
	s6 =	simm.s32 $0x108;
	_ =	swait.ge @!p0 [sflag:s8], $0x0  }
0x24: {  	s3 =	sadd.s32 $0x88, s3;
	s6 =	simm.s32 @!p1 $0x1082;
	[sflag:s4] =	ssyncset.s32 $0xFFFFF086  }
0x25: {  	[simem:s6], [sflag:s4] =	dma.local [hbm:s3], $0xF7A  }
0x26: {  	[smem:$0x3F9E] =	sst s1;
	(tag) =	ssettag s2;
	_ =	strace s9  }
0x27: {  	s1 =	sld [smem:$0x3FAE]  }
0x28: {  	s2 =	sld [smem:$0x3FAF]  }
0x29: {  	s4 =	sld [smem:$0x3FB1]  }
0x2a: {  	p0 =	seq.s32 s5, $0x0;
	s5 =	sld [smem:$0x3FB2]  }
0x2b: {  	s6 =	sld [smem:$0x3FB3]  }
0x2c: {  	s7 =	sld [smem:$0x3FB4]  }
0x2d: {  	s3 =	simm.s32 $0x108;
	s8 =	sld [smem:$0x3FB5]  }
0x2e: {  	s3 =	simm.s32 @!p0 $0x1082;
	s9 =	sld [smem:$0x3FB6]  }
0x2f: {  	lr =	sadd.s32 s0, s3;
	s0 =	sld [smem:$0x3FAD]  }
0x30: {  	s3 =	sld [smem:$0x3FB0]  }
0x31: {  	[smem:$0x3FB9] =	sst s10  }
0x32: {  	s10 =	sld [smem:$0x3FB7];
	_ =	sdelay $0x3  }
0x33: {  	p0 =	seq.s32 s10, $0x1;
	s10 =	sld [smem:$0x3FB9];
	_ =	sdelay $0x3  }
0x34: {  	[smem:$0x3FB9] =	sst s10  }
0x35: {  	s10 =	sld [smem:$0x3FB8];
	_ =	sdelay $0x3  }
0x36: {  	p1 =	seq.s32 s10, $0x1;
	s10 =	sld [smem:$0x3FB9];
	_ =	sdelay $0x3  }
0x37: {  	[smem:$0x3FB9] =	sst s10  }
0x38: {  	s10 =	sld [smem:$0x3FBA]  }
0x39: {  	_ = 	snop;
	(pc) =	sbr.ind lr, $3  }
0x3a: {  	_ = 	snop  }
0x3b: {  	_ = 	snop  }
0x3c: {  	p2 =	seq.s32 s10, $0x1;
	s10 =	sld [smem:$0x3FB9]  }
0x3d: {  	_ =	shalt  }
0x3e: {  	_ =	shalt  }
0x3f: {  	_ =	shalt  }
0x40: {  	_ =	shalt  }
0x41: {  	_ =	shalt  }
0x42: {  	_ =	shalt  }
0x43: {  	_ =	shalt  }
0x44: {  	_ =	shalt  }
0x45: {  	_ =	shalt  }
0x46: {  	_ =	shalt  }
0x47: {  	_ =	shalt  }
0x48: {  	_ =	shalt  }
0x49: {  	_ =	shalt  }
0x4a: {  	_ =	shalt  }
0x4b: {  	_ =	shalt  }
0x4c: {  	_ =	shalt  }
0x4d: {  	_ =	shalt  }
0x4e: {  	_ =	shalt  }
0x4f: {  	_ =	shalt  }
0x50: {  	_ =	shalt  }
0x51: {  	_ =	shalt  }
0x52: {  	_ =	shalt  }
0x53: {  	_ =	shalt  }
0x54: {  	_ =	shalt  }
0x55: {  	_ =	shalt  }
0x56: {  	_ =	shalt  }
0x57: {  	_ =	shalt  }
0x58: {  	_ =	shalt  }
0x59: {  	_ =	shalt  }
0x5a: {  	_ =	shalt  }
0x5b: {  	_ =	shalt  }
0x5c: {  	_ =	shalt  }
0x5d: {  	_ =	shalt  }
0x5e: {  	_ =	shalt  }
0x5f: {  	_ =	shalt  }
0x60: {  	_ =	shalt  }
0x61: {  	_ =	shalt  }
0x62: {  	_ =	shalt  }
0x63: {  	_ =	shalt  }
0x64: {  	_ =	shalt  }
0x65: {  	_ =	shalt  }
0x66: {  	_ =	shalt  }
0x67: {  	_ =	shalt  }
0x68: {  	_ =	shalt  }
0x69: {  	_ =	shalt  }
0x6a: {  	_ =	shalt  }
0x6b: {  	_ =	shalt  }
0x6c: {  	_ =	shalt  }
0x6d: {  	_ =	shalt  }
0x6e: {  	_ =	shalt  }
0x6f: {  	_ =	shalt  }
0x70: {  	_ =	shalt  }
0x71: {  	_ =	shalt  }
0x72: {  	_ =	shalt  }
0x73: {  	_ =	shalt  }
0x74: {  	_ =	shalt  }
0x75: {  	_ =	shalt  }
0x76: {  	_ =	shalt  }
0x77: {  	_ =	shalt  }
0x78: {  	_ =	shalt  }
0x79: {  	_ =	shalt  }
0x7a: {  	_ =	shalt  }
0x7b: {  	_ =	shalt  }
0x7c: {  	_ =	shalt  }
0x7d: {  	_ =	shalt  }
0x7e: {  	_ =	shalt  }
0x7f: {  	_ =	shalt  }
0x80: {  	_ =	shalt  }
0x81: {  	_ =	shalt  }
0x82: {  	_ =	shalt  }
0x83: {  	_ =	shalt  }
0x84: {  	_ =	shalt  }
0x85: {  	_ =	shalt  }
0x86: {  	_ =	shalt  }
0x87: {  	_ =	shalt  }
.Lfunc_end0:
.L_simem_size_0:
called_computation_lowered:
.L_overlay_start_0:
0x88: {  	s2 =	sld [smem:$0x3FD9]  }
0x89: {  	s3 =	sld [smem:$0x3FFE];
	_ =	sdelay $0x1  }
0x8a: {  	s1 =	srdreg.scid  }
0x8b: {  	s0 =	sand.u32 $0x1, s1  }
0x8c: {  	s17 =	sshll.u32 s0, $0xA;
	s2 =	sadd.s32 s3, s2  }
0x8d: {  	s2 =	sadd.s32 s2, s17  }
0x8e: {  	[smem:$0x3FC5] =	sst s2  }
0x8f: {  	_ = 	snop  }
0x90: {  	s2 =	sld [smem:$0x3FC9]  }
0x91: {  	s18 =	sld [smem:$0x3FC8]  }
0x92: {  	s4 =	sld [smem:$0x3FC7];
	(tm) =	ssettm $0x1  }
0x93: {  	s5 =	sld [smem:$0x3FFB];
	_ =	sdelay $0x3  }
0x94: {  	_ =	strace s5  }
0x95: {  	s5 =	sld [smem:$0x3FFC];
	_ =	sdelay $0x3  }
0x96: {  	_ =	strace s5  }
0x97: {  	s5 =	sld [smem:$0x3FFD];
	_ =	sdelay $0x3  }
0x98: {  	_ =	strace s5  }
0x99: {  	_ =	strace $0x8FFFFFFF  }
0x9a: {  	s19 =	sld [smem:$0x3FDB];
	_ =	sdelay $0x1  }
0x9b: {  	s6 =	simm.s32 $_scs_section_size  }
0x9c: {  	s7 =	simm.s32 $_size__tile_overlayer_lowered;
	s8 =	simm.s32 $_tile_overlayer_lowered  }
0x9d: {  	s22 =	simm.s32 $0x1BFF;
	s21 =	sshll.u32 s8, $0x1;
	s5 =	sadd.s32 s6, s19  }
0x9e: {  	s9 =	simm.s32 $0x0;
	s20 =	sshll.u32 s7, $0x1;
	s7 =	sadd.s32 s21, s5  }
0x9f: {  	[timem:s9], [sflag:s22] =	dma.local [hbm:s7], s20  }
0xa0: {  	_ =	swait.ge [sflag:s22], s20  }
0xa1: {  	s6 =	ssub.s32 $0x0, s20;
	[sflag:s22] =	ssyncset.done $0x0  }
0xa2: {  	[sflag:s22] =	ssyncadd.s32 s6;
	_ =	sdelay $0x1  }
0xa3: {  	s23 =	simm.s32 $0x1B8B  }
0xa4: {  	_ =	swait.ge [sflag:s23], $0x1  }
0xa5: {  	[sflag:s23] =	ssyncset.done $0x0  }
0xa6: {  	s25 =	simm.s32 $0x1B8E;
	s24 =	sld [smem:$0x3FFE];
	[sflag:s23] =	ssyncadd.s32 $0xFFFFFFFF  }
0xa7: {  	s26 =	simm.s32 $execute0_lowered;
	[smem:$0x3FD2] =	sst s25  }
0xa8: {  	s7 =	sshll.u32 s26, $0x1;
	_ =	strace $0x80000046;
	[dreg:$0x1] =	wrdreg $0xFFFFFFFF  }
0xa9: {  	s28 =	simm.s32 $_size_execute0_lowered;
	s5 =	sadd.s32 s5, s7;
	[dreg:$0x0] =	wrdreg $0x0  }
0xaa: {  	s7 =	sshll.u32 s28, $0x1;
	[dreg:$0x2] =	wrdreg s5  }
0xab: {  	[dreg:$0x3] =	wrdreg s7  }
0xac: {  	[dreg:$0x4] =	wrdreg $0xC0  }
0xad: {  	_ =	task [dreg:s9], $0x5FFFF  }
0xae: {  	[dreg:$0x1] =	wrdreg $0xFFFFFFFF  }
0xaf: {  	[dreg:$0x0] =	wrdreg $0x60  }
0xb0: {  	[dreg:$0x2] =	wrdreg s2  }
0xb1: {  	[dreg:$0x3] =	wrdreg s18  }
0xb2: {  	[dreg:$0x4] =	wrdreg s4  }
0xb3: {  	[dreg:$0x5] =	wrdreg s24  }
0xb4: {  	[dreg:$0x6] =	wrdreg $0x9  }
0xb5: {  	_ =	task.clear_ibuf [dreg:s9], $0x7FFFF;
	_ =	strace $0x90000046  }
0xb6: {  	s29 =	simm.s32 $0x9;
	_ =	strace $0x80000048  }
0xb7: {  	_ =	swait.ge [sflag:s29], $0x1  }
0xb8: {  	[sflag:s29] =	ssyncadd.s32 $0xFFFFFFFF  }
0xb9: {  	_ =	strace $0x90000048  }
0xba: {  	_ =	sfence  }
0xbb: {  	s30 =	sld [smem:$0x0];
	_ =	sdelay $0x2  }
0xbc: {  	s31 =	sshll.u32 s1, $0xD;
	s1 =	sshrl.u32 s1, $0x2  }
0xbd: {  	s3 =	sand.u32 $0x4000, s31;
	s1 =	sadd.s32 s1, s30  }
0xbe: {  	s0 =	sor.u32 s3, s0;
	s1 =	sshll.u32 s1, $0x11  }
0xbf: {  	s0 =	sor.u32 s1, s0  }
0xc0: {  	s0 =	sadd.s32 $0x8F2B, s0  }
0xc1: {  	[sflag:s0] =	ssyncadd.remote.s32 $0x1  }
0xc2: {  	_ =	sfence.sel $0xFFFF  }
0xc3: {  	[dreg:$0x0] =	wrdreg $0xFFFFFFFF;
	(pc) =	sbr.abs _section_cstart, $3  }
0xc4: {  	[dreg:$0x1] =	wrdreg $0xFFFFFFFF  }
0xc5: {  	_ =	task.clear_ibuf [dreg:s9], $0x2FFFF;
	_ =	strace $0x9FFFFFFF  }
0xc6: {  	(tm) =	ssettm $0x7FFFFFFF  }
0xc7: {  	_ =	shalt  }
tec
execute0_lowered:
.L_overlay_start_1:
0x0: {  	(tag) =	ssettag $0x1  }
0x1: {  	s1 =	rddreg [dreg:$0x0]  }
0x2: {  	s2 =	rddreg [dreg:$0x1]  }
0x3: {  	s4 =	rddreg [dreg:$0x2]  }
0x4: {  	s0 =	rddreg [dreg:$0x3]  }
0x5: {  	s3 =	srdreg.scid;
	s6 =	stileid.u32;
	s5 =	simm.s32 $0x0  }
0x6: {  	s10 =	simm.s32 $0x2;
	s11 =	simm.s32 $0x200;
	s12 =	simm.s32 $0x10  }
0x7: {  	s13 =	simm.s32 $0x210;
	s14 =	simm.s32 $0x80;
	s15 =	simm.s32 $0xA10  }
0x8: {  	s16 =	simm.s32 $0x1010;
	s17 =	simm.s32 $0xA90;
	s18 =	simm.s32 $0x5010  }
0x9: {  	s19 =	simm.s32 $0xB10;
	s20 =	simm.s32 $0x9010;
	s21 =	simm.s32 $0xB90  }
0xa: {  	s22 =	simm.s32 $0xD010;
	s23 =	simm.s32 $0x1;
	s24 =	simm.s32 $0x11010  }
0xb: {  	s3 =	sand.u32 $0x1, s3;
	s6 =	sshll.u32 s6, $0x1;
	[smem:$0x7FF] =	sst s5  }
0xc: {  	s25 =	simm.s32 $0x0;
	s6 =	sor.u32 s3, s6;
	_ =	strace $0x80000047  }
0xd: {  	s3 =	ssub.s32 $0x2, s3;
	s7 =	sshll.u32 s6, $0x8;
	s8 =	sshll.u32 s6, $0xA  }
0xe: {  	s31 =	sshrl.u32 s3, $0x1;
	s6 =	sshll.u32 s6, $0x1;
	s7 =	sadd.s32 s7, s0  }
0xf: {  	s0 =	sadd.s32 s8, s0;
	s3 =	ssub.s32 s3, s31;
	s6 =	sadd.s32 s1, s6  }
0x10: {  	s7 =	sadd.s32 $0x8C00, s7;
	s8 =	sadd.s32 $0xC00, s0;
	s9 =	smax.u32 s3, $0x1  }
.LBB2_1:
0x11: {  	[tilespmem:s5], [sflag:$0x2] =	stream.linear.gather [hbm4b:s1+s5], $0x200, $0x38;
	[tilespmem:$0x13010] =	vst v63  }
0x12: {  	_ =	swait.ge [sflag:s10], $0x200  }
0x13: {  	[sflag:s10] =	ssyncset.done $0x0  }
0x14: {  	[sflag:s10] =	ssyncadd.s32 $0xFFFFFE00  }
0x15: {  	[tilespmem:s11], [sflag:$0x2] =	stream.linear.gather [hbm4b:s6+s5], $0x10, $0x38;
	[tilespmem:$0x13010] =	vst v63  }
0x16: {  	_ =	swait.ge [sflag:s10], $0x10  }
0x17: {  	[sflag:s10] =	ssyncset.done $0x0  }
0x18: {  	[sflag:s10] =	ssyncadd.s32 $0xFFFFFFF0  }
0x19: {  	[tilespmem:s13], [sflag:$0x1] =	stream.indirect.gather [hbm4b:s2+s12], $0x80, s11, s12, $0xb8;
	[tilespmem:$0x13010] =	vst v63  }
0x1a: {  	v0 =	vld [tilespmem:$0x200];
	_ =	sdelay $0x4  }
0x1b: {  	v1 =	vshll.u32 v0, $0x5  }
0x1c: {  	v0 =	vand.u32 $0x7, v0;
	v1 =	vand.u32 $0xFFFFFF00, v1  }
0x1d: {  	s3 =	simm.s32 $0x38;
	v0 =	vor.u32 v0, v1  }
0x1e: {  	s0 =	simm.s32 $0xA50;
	s26 =	simm.s32 $0x8;
	v1 =	vor.u32 s3, v0  }
0x1f: {  	s30 =	simm.s32 $0x28;
	v2 =	vor.u32 s26, v0;
	[tilespmem:s0+$0x30] =	vst v1  }
0x20: {  	s26 =	simm.s32 $0x10;
	v3 =	vor.u32 s30, v0;
	[tilespmem:s0+$0xFFFFFFD0] =	vst v2  }
0x21: {  	s28 =	simm.s32 $0x18;
	v1 =	vor.u32 s26, v0;
	[tilespmem:s0+$0x10] =	vst v3  }
0x22: {  	s29 =	simm.s32 $0x20;
	v2 =	vor.u32 s28, v0;
	[tilespmem:s0+$0xFFFFFFE0] =	vst v1  }
0x23: {  	s31 =	simm.s32 $0x30;
	v1 =	vor.u32 s29, v0;
	[tilespmem:s0+$0xFFFFFFF0] =	vst v2  }
0x24: {  	s3 =	simm.s32 $0x0;
	s26 =	simm.s32 $0x40;
	v2 =	vor.u32 s31, v0;
	[tilespmem:s0+$0x0] =	vst v1;
	v1 =	vor.u32 s5, v0  }
.LBB2_2:
0x25: {  	v3 =	vor.u32 s26, v0;
	s28 =	sadd.s32 $0x8, s26;
	s29 =	sadd.s32 $0x38, s26;
	s3 =	sadd.s32 $0x8, s3;
	[tilespmem:s0+$0x20] =	vst v2  }
0x26: {  	v2 =	vor.u32 s28, v0;
	s28 =	sadd.s32 $0x10, s26;
	v4 =	vor.u32 s29, v0;
	p0 =	slt.u32 s3, $0x18;
	[tilespmem:s0+$0xFFFFFFC0] =	vst v1;
	s0 =	sadd.s32 $0x80, s0;
	v1 =	vmov v3  }
0x27: {  	s30 =	sadd.s32 $0x28, s26;
	s29 =	sadd.s32 $0x20, s26;
	v3 =	vor.u32 s28, v0;
	s28 =	sadd.s32 $0x18, s26;
	[tilespmem:s0+$0x30] =	vst v4  }
.Ltmp0:
0x28: {  	v6 =	vor.u32 s30, v0;
	v5 =	vor.u32 s29, v0;
	[tilespmem:s0+$0xFFFFFFD0] =	vst v2;
	v4 =	vor.u32 s28, v0;
	s28 =	sadd.s32 $0x30, s26;
	(pc) =	sbr.rel @p0 .LBB2_2-.Ltmp0, $4  }
0x29: {  	[tilespmem:s0+$0xFFFFFFE0] =	vst v3;
	v2 =	vor.u32 s28, v0  }
0x2a: {  	[tilespmem:s0+$0xFFFFFFF0] =	vst v4  }
0x2b: {  	[tilespmem:s0+$0x0] =	vst v5  }
0x2c: {  	s26 =	sadd.s32 $0x40, s26;
	[tilespmem:s0+$0x10] =	vst v6  }
0x2d: {  	[tilespmem:s0+$0x20] =	vst v2  }
0x2e: {  	[tilespmem:s0+$0xFFFFFFC0] =	vst v1  }
0x2f: {  	[tilespmem:s16], [sflag:$0x1] =	stream.indirect.gather [hbm4b:s4+s14], $0x80, s15, s14, $0xb8;
	[tilespmem:$0x13010] =	vst v63  }
0x30: {  	_ = 	snop  }
0x31: {  	[tilespmem:s18], [sflag:$0x1] =	stream.indirect.gather [hbm4b:s4+s14], $0x80, s17, s14, $0xb8;
	[tilespmem:$0x13010] =	vst v63  }
0x32: {  	_ = 	snop  }
0x33: {  	[tilespmem:s20], [sflag:$0x1] =	stream.indirect.gather [hbm4b:s4+s14], $0x80, s19, s14, $0xb8;
	[tilespmem:$0x13010] =	vst v63  }
0x34: {  	_ = 	snop  }
0x35: {  	[tilespmem:s22], [sflag:$0x1] =	stream.indirect.gather [hbm4b:s4+s14], $0x80, s21, s14, $0xb8;
	[tilespmem:$0x13010] =	vst v63  }
0x36: {  	v0 =	vld [tilespmem:$0x0]  }
0x37: {  	v1 =	vld [tilespmem:$0x10]  }
0x38: {  	v2 =	vld [tilespmem:$0x20]  }
0x39: {  	v4 =	vld [tilespmem:$0x30]  }
0x3a: {  	v59 =	vld [tilespmem:$0x40]  }
0x3b: {  	v63 =	vld [tilespmem:$0x50];
	v3 =	vshra.s32 v0, $0x3;
	v0 =	vand.u32 $0x7F, v0  }
0x3c: {  	v11 =	vld [tilespmem:$0x60];
	v60 =	vand.u32 $0x7F, v1;
	[tilespmem:$0xE10] =	vst v0  }
0x3d: {  	v15 =	vld [tilespmem:$0x70];
	v8 =	vand.u32 $0x7F, v2;
	[tilespmem:$0xE20] =	vst v60  }
0x3e: {  	v19 =	vld [tilespmem:$0x80];
	v12 =	vand.u32 $0x7F, v4;
	[tilespmem:$0xE30] =	vst v8  }
0x3f: {  	v23 =	vld [tilespmem:$0x90];
	v16 =	vand.u32 $0x7F, v59;
	[tilespmem:$0xE40] =	vst v12  }
0x40: {  	v27 =	vld [tilespmem:$0xA0];
	v20 =	vand.u32 $0x7F, v63;
	[tilespmem:$0xE50] =	vst v16  }
0x41: {  	v31 =	vld [tilespmem:$0xB0];
	v24 =	vand.u32 $0x7F, v11;
	[tilespmem:$0xE60] =	vst v20  }
0x42: {  	v35 =	vld [tilespmem:$0xC0];
	v28 =	vand.u32 $0x7F, v15;
	[tilespmem:$0xE70] =	vst v24  }
0x43: {  	v39 =	vld [tilespmem:$0xD0];
	v32 =	vand.u32 $0x7F, v19;
	[tilespmem:$0xE80] =	vst v28  }
0x44: {  	v43 =	vld [tilespmem:$0xE0];
	v36 =	vand.u32 $0x7F, v23;
	[tilespmem:$0xE90] =	vst v32  }
0x45: {  	v51 =	vld [tilespmem:$0x100];
	v40 =	vand.u32 $0x7F, v27;
	[tilespmem:$0xEA0] =	vst v36  }
0x46: {  	v44 =	vand.u32 $0x7F, v31;
	[tilespmem:$0xEB0] =	vst v40  }
0x47: {  	v48 =	vand.u32 $0x7F, v35;
	[tilespmem:$0xEC0] =	vst v44  }
0x48: {  	v52 =	vand.u32 $0x7F, v39;
	[tilespmem:$0xED0] =	vst v48  }
0x49: {  	v56 =	vand.u32 $0x7F, v43;
	[tilespmem:$0xEE0] =	vst v52  }
0x4a: {  	v6 =	vand.u32 $0x7F, v51;
	[tilespmem:$0xEF0] =	vst v56  }
0x4b: {  	v57 =	vshra.s32 v1, $0x3;
	v3 =	vand.u32 $0xFFFFFFF0, v3;
	[tilespmem:$0xF10] =	vst v6  }
0x4c: {  	v61 =	vshra.s32 v2, $0x3;
	v58 =	vand.u32 $0xFFFFFFF0, v57;
	[tilespmem:$0xC10] =	vst v3  }
0x4d: {  	v9 =	vshra.s32 v4, $0x3;
	v62 =	vand.u32 $0xFFFFFFF0, v61;
	[tilespmem:$0xC20] =	vst v58  }
0x4e: {  	v13 =	vshra.s32 v59, $0x3;
	v10 =	vand.u32 $0xFFFFFFF0, v9;
	[tilespmem:$0xC30] =	vst v62  }
0x4f: {  	v17 =	vshra.s32 v63, $0x3;
	v14 =	vand.u32 $0xFFFFFFF0, v13;
	[tilespmem:$0xC40] =	vst v10  }
0x50: {  	v21 =	vshra.s32 v11, $0x3;
	v18 =	vand.u32 $0xFFFFFFF0, v17;
	[tilespmem:$0xC50] =	vst v14  }
0x51: {  	v25 =	vshra.s32 v15, $0x3;
	v22 =	vand.u32 $0xFFFFFFF0, v21;
	[tilespmem:$0xC60] =	vst v18  }
0x52: {  	v29 =	vshra.s32 v19, $0x3;
	v26 =	vand.u32 $0xFFFFFFF0, v25;
	[tilespmem:$0xC70] =	vst v22  }
0x53: {  	v33 =	vshra.s32 v23, $0x3;
	v30 =	vand.u32 $0xFFFFFFF0, v29;
	[tilespmem:$0xC80] =	vst v26  }
0x54: {  	v47 =	vld [tilespmem:$0xF0];
	v37 =	vshra.s32 v27, $0x3;
	v34 =	vand.u32 $0xFFFFFFF0, v33;
	[tilespmem:$0xC90] =	vst v30  }
0x55: {  	v55 =	vld [tilespmem:$0x110];
	v41 =	vshra.s32 v31, $0x3;
	v38 =	vand.u32 $0xFFFFFFF0, v37;
	[tilespmem:$0xCA0] =	vst v34  }
0x56: {  	v45 =	vshra.s32 v35, $0x3;
	v42 =	vand.u32 $0xFFFFFFF0, v41;
	[tilespmem:$0xCB0] =	vst v38  }
0x57: {  	v49 =	vshra.s32 v39, $0x3;
	v46 =	vand.u32 $0xFFFFFFF0, v45;
	[tilespmem:$0xCC0] =	vst v42  }
0x58: {  	v53 =	vshra.s32 v43, $0x3;
	v50 =	vand.u32 $0xFFFFFFF0, v49;
	[tilespmem:$0xCD0] =	vst v46  }
0x59: {  	v54 =	vand.u32 $0xFFFFFFF0, v53;
	[tilespmem:$0xCE0] =	vst v50  }
0x5a: {  	v59 =	vld [tilespmem:$0x120];
	v7 =	vshra.s32 v55, $0x3;
	v60 =	vand.u32 $0x7F, v47;
	[tilespmem:$0xCF0] =	vst v54  }
0x5b: {  	v63 =	vld [tilespmem:$0x130];
	v57 =	vshra.s32 v47, $0x3;
	v8 =	vand.u32 $0xFFFFFFF0, v7;
	[tilespmem:$0xF00] =	vst v60  }
0x5c: {  	v61 =	vshra.s32 v51, $0x3;
	v58 =	vand.u32 $0xFFFFFFF0, v57;
	[tilespmem:$0xD20] =	vst v8  }
0x5d: {  	v62 =	vand.u32 $0xFFFFFFF0, v61;
	[tilespmem:$0xD00] =	vst v58  }
0x5e: {  	v9 =	vld [tilespmem:$0x140];
	v10 =	vand.u32 $0x7F, v55;
	[tilespmem:$0xD10] =	vst v62  }
0x5f: {  	v13 =	vld [tilespmem:$0x150];
	[tilespmem:$0xF20] =	vst v10;
	v14 =	vand.u32 $0x7F, v59  }
0x60: {  	v17 =	vld [tilespmem:$0x160];
	v11 =	vshra.s32 v59, $0x3;
	v18 =	vand.u32 $0x7F, v63;
	[tilespmem:$0xF30] =	vst v14  }
0x61: {  	v21 =	vld [tilespmem:$0x170];
	v15 =	vshra.s32 v63, $0x3;
	v12 =	vand.u32 $0xFFFFFFF0, v11;
	[tilespmem:$0xF40] =	vst v18  }
0x62: {  	v25 =	vld [tilespmem:$0x180];
	v16 =	vand.u32 $0xFFFFFFF0, v15;
	[tilespmem:$0xD30] =	vst v12  }
0x63: {  	v29 =	vld [tilespmem:$0x190];
	v22 =	vand.u32 $0x7F, v9;
	[tilespmem:$0xD40] =	vst v16  }
0x64: {  	v33 =	vld [tilespmem:$0x1A0];
	v26 =	vand.u32 $0x7F, v13;
	[tilespmem:$0xF50] =	vst v22  }
0x65: {  	v37 =	vld [tilespmem:$0x1B0];
	v30 =	vand.u32 $0x7F, v17;
	[tilespmem:$0xF60] =	vst v26  }
0x66: {  	v41 =	vld [tilespmem:$0x1C0];
	v34 =	vand.u32 $0x7F, v21;
	[tilespmem:$0xF70] =	vst v30  }
0x67: {  	v45 =	vld [tilespmem:$0x1D0];
	v38 =	vand.u32 $0x7F, v25;
	[tilespmem:$0xF80] =	vst v34  }
0x68: {  	v49 =	vld [tilespmem:$0x1E0];
	v42 =	vand.u32 $0x7F, v29;
	[tilespmem:$0xF90] =	vst v38  }
0x69: {  	v53 =	vld [tilespmem:$0x1F0];
	v46 =	vand.u32 $0x7F, v33;
	[tilespmem:$0xFA0] =	vst v42  }
0x6a: {  	v50 =	vand.u32 $0x7F, v37;
	[tilespmem:$0xFB0] =	vst v46  }
0x6b: {  	v54 =	vand.u32 $0x7F, v41;
	[tilespmem:$0xFC0] =	vst v50  }
0x6c: {  	v57 =	vand.u32 $0x7F, v45;
	[tilespmem:$0xFD0] =	vst v54  }
0x6d: {  	v60 =	vand.u32 $0x7F, v49;
	[tilespmem:$0xFE0] =	vst v57  }
0x6e: {  	v19 =	vshra.s32 v9, $0x3;
	v63 =	vand.u32 $0x7F, v53;
	[tilespmem:$0xFF0] =	vst v60  }
0x6f: {  	v23 =	vshra.s32 v13, $0x3;
	v20 =	vand.u32 $0xFFFFFFF0, v19;
	[tilespmem:$0x1000] =	vst v63  }
0x70: {  	v27 =	vshra.s32 v17, $0x3;
	v24 =	vand.u32 $0xFFFFFFF0, v23;
	[tilespmem:$0xD50] =	vst v20  }
0x71: {  	v31 =	vshra.s32 v21, $0x3;
	v28 =	vand.u32 $0xFFFFFFF0, v27;
	[tilespmem:$0xD60] =	vst v24  }
0x72: {  	v35 =	vshra.s32 v25, $0x3;
	v32 =	vand.u32 $0xFFFFFFF0, v31;
	[tilespmem:$0xD70] =	vst v28  }
0x73: {  	v39 =	vshra.s32 v29, $0x3;
	v36 =	vand.u32 $0xFFFFFFF0, v35;
	[tilespmem:$0xD80] =	vst v32  }
0x74: {  	v43 =	vshra.s32 v33, $0x3;
	v40 =	vand.u32 $0xFFFFFFF0, v39;
	[tilespmem:$0xD90] =	vst v36  }
0x75: {  	v47 =	vshra.s32 v37, $0x3;
	v44 =	vand.u32 $0xFFFFFFF0, v43;
	[tilespmem:$0xDA0] =	vst v40  }
0x76: {  	v51 =	vshra.s32 v41, $0x3;
	v48 =	vand.u32 $0xFFFFFFF0, v47;
	[tilespmem:$0xDB0] =	vst v44  }
0x77: {  	v55 =	vshra.s32 v45, $0x3;
	v52 =	vand.u32 $0xFFFFFFF0, v51;
	[tilespmem:$0xDC0] =	vst v48  }
0x78: {  	v58 =	vshra.s32 v49, $0x3;
	v56 =	vand.u32 $0xFFFFFFF0, v55;
	[tilespmem:$0xDD0] =	vst v52  }
0x79: {  	v61 =	vshra.s32 v53, $0x3;
	v59 =	vand.u32 $0xFFFFFFF0, v58;
	[tilespmem:$0xDE0] =	vst v56  }
0x7a: {  	v62 =	vand.u32 $0xFFFFFFF0, v61;
	[tilespmem:$0xDF0] =	vst v59  }
0x7b: {  	[tilespmem:$0xE00] =	vst v62  }
0x7c: {  	_ =	swait.ge [sflag:s23], $0x4000  }
0x7d: {  	[sflag:s23] =	ssyncset.done $0x0  }
0x7e: {  	[sflag:s23] =	ssyncadd.s32 $0xFFFFC000  }
0x7f: {  	_ =	swait.ge [sflag:s23], $0x4000  }
0x80: {  	[sflag:s23] =	ssyncset.done $0x0  }
0x81: {  	[sflag:s23] =	ssyncadd.s32 $0xFFFFC000  }
0x82: {  	_ =	swait.ge [sflag:s23], $0x4000  }
0x83: {  	[sflag:s23] =	ssyncset.done $0x0  }
0x84: {  	[sflag:s23] =	ssyncadd.s32 $0xFFFFC000  }
0x85: {  	_ =	swait.ge [sflag:s23], $0x4000  }
0x86: {  	[sflag:s23] =	ssyncset.done $0x0  }
0x87: {  	[sflag:s23] =	ssyncadd.s32 $0xFFFFC000  }
0x88: {  	_ =	swait.ge [sflag:s23], $0x800  }
0x89: {  	[sflag:s23] =	ssyncset.done $0x0  }
0x8a: {  	s26 =	simm.s32 $0x0;
	[sflag:s23] =	ssyncadd.s32 $0xFFFFF800  }
0x8b: {  	[hbm4b:s7+s26] =	stream.linear.scatter [tilespmem:s13], [sflag:$0x2], $0x800, $0x38;
	[tilespmem:$0x13010] =	vst v63  }
0x8c: {  	_ =	swait.ge [sflag:s10], $0x800  }
0x8d: {  	[sflag:s10] =	ssyncset.done $0x0  }
0x8e: {  	s28 =	simm.s32 $0x0;
	s29 =	simm.s32 $0x0;
	[sflag:s10] =	ssyncadd.s32 $0xFFFFF800  }
.LBB2_4:
0x8f: {  	s0 =	sshll.u32 s28, $0x9;
	s3 =	sand.u32 $0x7, s26  }
0x90: {  	s0 =	sand.u32 $0xFFFFC000, s0;
	s3 =	sshll.u32 s3, $0x9  }
0x91: {  	s0 =	sor.u32 s3, s0  }
0x92: {  	s31 =	simm.s32 $0xFFFFFFF8;
	s0 =	sshrl.u32 s0, $0x2  }
0x93: {  	v0 =	vmov s29;
	s3 =	simm.s32 $0xE50;
	s30 =	sadd.s32 $0x11050, s0;
	s0 =	simm.s32 $0xC50  }
.LBB2_5:
0x94: {  	v1 =	vld [tilespmem:s0+$0xFFFFFFC0]  }
0x95: {  	v2 =	vld [tilespmem:s3+$0xFFFFFFC0];
	_ =	sdelay $0x3  }
0x96: {  	v1 =	vadd.s32 v0, v1  }
0x97: {  	v3 =	vand.u32 $0xFFFFFFF8, v2;
	v1 =	vshll.u32 v1, $0x7  }
0x98: {  	v2 =	vand.u32 $0x7, v2;
	v1 =	vadd.s32 v3, v1  }
0x99: {  	v1 =	vor.u32 v2, v1;
	_ =	sdelay $0x4  }
0x9a: {  	v1 =	vld.idx.msk [tilespmem:v1+s16+$0x0], $0xffff;
	_ =	sdelay $0x4  }
0x9b: {  	[tilespmem:s30+$0xFFFFFFC0] =	vst v1  }
0x9c: {  	v1 =	vld [tilespmem:s0+$0xFFFFFFD0]  }
0x9d: {  	v2 =	vld [tilespmem:s3+$0xFFFFFFD0];
	_ =	sdelay $0x3  }
0x9e: {  	v1 =	vadd.s32 v0, v1  }
0x9f: {  	v3 =	vand.u32 $0xFFFFFFF8, v2;
	v1 =	vshll.u32 v1, $0x7  }
0xa0: {  	v2 =	vand.u32 $0x7, v2;
	v1 =	vadd.s32 v3, v1  }
0xa1: {  	v1 =	vor.u32 v2, v1;
	_ =	sdelay $0x4  }
0xa2: {  	v1 =	vld.idx.msk [tilespmem:v1+s16+$0x0], $0xffff;
	_ =	sdelay $0x4  }
0xa3: {  	[tilespmem:s30+$0xFFFFFFD0] =	vst v1  }
0xa4: {  	v1 =	vld [tilespmem:s0+$0xFFFFFFE0]  }
0xa5: {  	v2 =	vld [tilespmem:s3+$0xFFFFFFE0];
	_ =	sdelay $0x3  }
0xa6: {  	v1 =	vadd.s32 v0, v1  }
0xa7: {  	v3 =	vand.u32 $0xFFFFFFF8, v2;
	v1 =	vshll.u32 v1, $0x7  }
0xa8: {  	v2 =	vand.u32 $0x7, v2;
	v1 =	vadd.s32 v3, v1  }
0xa9: {  	v1 =	vor.u32 v2, v1;
	_ =	sdelay $0x4  }
0xaa: {  	v1 =	vld.idx.msk [tilespmem:v1+s16+$0x0], $0xffff;
	_ =	sdelay $0x4  }
0xab: {  	[tilespmem:s30+$0xFFFFFFE0] =	vst v1  }
0xac: {  	v1 =	vld [tilespmem:s0+$0xFFFFFFF0]  }
0xad: {  	v2 =	vld [tilespmem:s3+$0xFFFFFFF0];
	_ =	sdelay $0x3  }
0xae: {  	v1 =	vadd.s32 v0, v1  }
0xaf: {  	v3 =	vand.u32 $0xFFFFFFF8, v2;
	v1 =	vshll.u32 v1, $0x7  }
0xb0: {  	v2 =	vand.u32 $0x7, v2;
	v1 =	vadd.s32 v3, v1  }
0xb1: {  	v1 =	vor.u32 v2, v1;
	_ =	sdelay $0x4  }
0xb2: {  	v1 =	vld.idx.msk [tilespmem:v1+s16+$0x0], $0xffff;
	_ =	sdelay $0x4  }
0xb3: {  	[tilespmem:s30+$0xFFFFFFF0] =	vst v1  }
0xb4: {  	v1 =	vld [tilespmem:s0+$0x0]  }
0xb5: {  	v2 =	vld [tilespmem:s3+$0x0];
	_ =	sdelay $0x3  }
0xb6: {  	v1 =	vadd.s32 v0, v1  }
0xb7: {  	v3 =	vand.u32 $0xFFFFFFF8, v2;
	v1 =	vshll.u32 v1, $0x7  }
0xb8: {  	v2 =	vand.u32 $0x7, v2;
	v1 =	vadd.s32 v3, v1  }
0xb9: {  	v1 =	vor.u32 v2, v1;
	_ =	sdelay $0x4  }
0xba: {  	v1 =	vld.idx.msk [tilespmem:v1+s16+$0x0], $0xffff;
	_ =	sdelay $0x4  }
0xbb: {  	[tilespmem:s30+$0x0] =	vst v1  }
0xbc: {  	v1 =	vld [tilespmem:s0+$0x10]  }
0xbd: {  	v2 =	vld [tilespmem:s3+$0x10];
	_ =	sdelay $0x3  }
0xbe: {  	v1 =	vadd.s32 v0, v1  }
0xbf: {  	v3 =	vand.u32 $0xFFFFFFF8, v2;
	v1 =	vshll.u32 v1, $0x7  }
0xc0: {  	v2 =	vand.u32 $0x7, v2;
	v1 =	vadd.s32 v3, v1  }
0xc1: {  	v1 =	vor.u32 v2, v1;
	_ =	sdelay $0x4  }
0xc2: {  	v1 =	vld.idx.msk [tilespmem:v1+s16+$0x0], $0xffff;
	_ =	sdelay $0x4  }
0xc3: {  	[tilespmem:s30+$0x10] =	vst v1  }
0xc4: {  	v1 =	vld [tilespmem:s0+$0x20]  }
0xc5: {  	v2 =	vld [tilespmem:s3+$0x20];
	_ =	sdelay $0x3  }
0xc6: {  	v1 =	vadd.s32 v0, v1  }
0xc7: {  	v3 =	vand.u32 $0xFFFFFFF8, v2;
	v1 =	vshll.u32 v1, $0x7  }
0xc8: {  	v2 =	vand.u32 $0x7, v2;
	v1 =	vadd.s32 v3, v1  }
0xc9: {  	v1 =	vor.u32 v2, v1;
	_ =	sdelay $0x4  }
0xca: {  	v1 =	vld.idx.msk [tilespmem:v1+s16+$0x0], $0xffff;
	_ =	sdelay $0x4  }
0xcb: {  	[tilespmem:s30+$0x20] =	vst v1  }
0xcc: {  	v1 =	vld [tilespmem:s0+$0x30]  }
0xcd: {  	v2 =	vld [tilespmem:s3+$0x30];
	_ =	sdelay $0x3  }
0xce: {  	v1 =	vadd.s32 v0, v1  }
0xcf: {  	v3 =	vand.u32 $0xFFFFFFF8, v2;
	v1 =	vshll.u32 v1, $0x7  }
0xd0: {  	v2 =	vand.u32 $0x7, v2;
	v1 =	vadd.s32 v3, v1  }
0xd1: {  	v1 =	vor.u32 v2, v1;
	_ =	sdelay $0x3  }
0xd2: {  	s31 =	sadd.s32 $0x8, s31  }
0xd3: {  	p0 =	slt.u32 s31, $0x18;
	v1 =	vld.idx.msk [tilespmem:v1+s16+$0x0], $0xffff  }
.Ltmp1:
0xd4: {  	_ = 	snop;
	(pc) =	sbr.rel @p0 .LBB2_5-.Ltmp1, $2  }
0xd5: {  	_ =	sdelay $0x2  }
0xd6: {  	s0 =	sadd.s32 $0x80, s0;
	s3 =	sadd.s32 $0x80, s3;
	[tilespmem:s30+$0x30] =	vst v1;
	s30 =	sadd.s32 $0x400, s30  }
0xd7: {  	s29 =	sadd.s32 $0x1, s29  }
0xd8: {  	p0 =	sne.s32 s29, $0x10  }
.Ltmp2:
0xd9: {  	_ = 	snop;
	(pc) =	sbr.rel @p0 .LBB2_4-.Ltmp2, $2  }
0xda: {  	_ =	sdelay $0x2  }
0xdb: {  	s28 =	sadd.s32 $0x4, s28;
	s26 =	sadd.s32 $0x1, s26  }
0xdc: {  	s25 =	sadd.s32 $0x1, s25  }
0xdd: {  	p0 =	sne.s32 s25, s9  }
.Ltmp3:
0xde: {  	_ = 	snop;
	(pc) =	sbr.rel @p0 .LBB2_1-.Ltmp3, $4  }
0xdf: {  	[hbm4b:s8+s5] =	stream.linear.scatter [tilespmem:s24], [sflag:$0x2], $0x2000, $0x38;
	[tilespmem:$0x13010] =	vst v63  }
0xe0: {  	_ =	swait.ge [sflag:s10], $0x2000  }
0xe1: {  	[sflag:s10] =	ssyncset.done $0x0  }
0xe2: {  	[sflag:s10] =	ssyncadd.s32 $0xFFFFE000  }
0xe3: {  	_ =	sfence.sel $0x180000  }
0xe4: {  	[bflag:$0x0] =	sbarrier.arrive $0xFFFF  }
0xe5: {  	_ =	strace $0x90000047  }
0xe6: {  	s0 =	stileid.u32;
	[bflag:$0x2] =	sbarrier.arrive $0xFFFF  }
0xe7: {  	p0 =	sne.s32 s0, $0x0;
	s0 =	rddreg [dreg:$0x4]  }
0xe8: {  	s0 =	sadd.s32 @!p0 $0x100000, s0  }
0xe9: {  	[sflag:s0] =	ssyncadd.tile.s32 @!p0 $0x1;
	_ =	shalt  }
.Lfunc_end2:
_tile_overlayer_lowered:
.L_overlay_start_2:
0xea: {  	(tag) =	ssettag $0x2  }
0xeb: {  	s0 =	rddreg [dreg:$0x0];
	s2 =	stileid.u32  }
0xec: {  	s1 =	rddreg [dreg:$0x1];
	p0 =	sne.s32 s2, $0x0  }
0xed: {  	s3 =	rddreg [dreg:$0x2];
	[bflag:$0x3] =	sbarrier.arrive $0xFFFF;
	s2 =	simm.s32 @!p0 $0x1C02  }
0xee: {  	[timem:s3], [sflag:s2] =	dma.local @!p0 [hbm:s0], s1  }
0xef: {  	s0 =	simm.s32 @!p0 $0x2  }
0xf0: {  	_ =	swait.ge @!p0 [sflag:s0], s1  }
0xf1: {  	s1 =	ssub.s32 @!p0 $0x0, s1;
	[sflag:s0] =	ssyncset.done @!p0 $0x0  }
0xf2: {  	[sflag:s0] =	ssyncadd.s32 @!p0 s1  }
0xf3: {  	[bflag:$0x3] =	sbarrier.arrive $0xFFFF  }
0xf4: {  	_ =	shalt  }

</sc_bundles>
